<compile_context>
chip_gen: v7x
topology: tpu7x:2x2x1
jax: 0.10.2.dev20260603
libtpu: 0.0.44.dev20260713+nightly
codegen_flags: <defaults>
</compile_context>

<pallas_src>
import functools

import jax
import jax.numpy as jnp
from jax import lax
from jax.experimental import pallas as pl
from jax.experimental.pallas import tpu as pltpu
from jax.experimental.pallas import tpu_sc as plsc

N = 100_000
G = 2048
H = 128
VP = 128
CHUNK = 4096
NW = 32
GPW = G // NW
BBUF = 48


def _bounds_body(b_ref, out_ref):
    b = b_ref[...]
    out_ref[0] = jnp.int32(0)
    for t in range(1, NW):
        out_ref[t] = jnp.sum((b < t * GPW).astype(jnp.int32))
    out_ref[NW] = jnp.int32(N)
    for t in range(NW + 1, BBUF):
        out_ref[t] = jnp.int32(0)


def _bounds_call(b2d):
    return pl.pallas_call(
        _bounds_body,
        out_shape=jax.ShapeDtypeStruct((BBUF,), jnp.int32),
        in_specs=[pl.BlockSpec(memory_space=pltpu.VMEM)],
        out_specs=pl.BlockSpec(memory_space=pltpu.SMEM),
    )(b2d)


_sc_mesh = plsc.VectorSubcoreMesh(core_axis_name="c", subcore_axis_name="s")


@functools.partial(
    pl.kernel,
    mesh=_sc_mesh,
    out_type=jax.ShapeDtypeStruct((G, VP), jnp.float32),
    scratch_types=[
        pltpu.VMEM((CHUNK,), jnp.int32),
        pltpu.VMEM((CHUNK,), jnp.int32),
        pltpu.VMEM((CHUNK,), jnp.int32),
        pltpu.VMEM((CHUNK,), jnp.int32),
        pltpu.VMEM((GPW, VP), jnp.float32),
        pltpu.VMEM((BBUF,), jnp.int32),
        pltpu.SemaphoreType.DMA,
        pltpu.SemaphoreType.DMA,
        pltpu.SemaphoreType.DMA,
        pltpu.SemaphoreType.DMA,
    ],
    compiler_params=pltpu.CompilerParams(needs_layout_passes=False),
)
def _sc_hist(z_hbm, b_hbm, bounds_hbm, out_hbm, zbufa, zbufb, bbufa, bbufb,
             hist, bnd, semz0, semz1, semb0, semb1):
    wid = lax.axis_index("s") * 2 + lax.axis_index("c")
    pltpu.sync_copy(bounds_hbm, bnd)

    lo = bnd[pl.ds(wid, 16)][0]
    hi = bnd[pl.ds(wid + 1, 16)][0]

    zeros16 = jnp.zeros((16,), jnp.float32)
    ones16 = jnp.ones((16,), jnp.float32)
    lanes = jnp.arange(16, dtype=jnp.int32)

    g_base = wid * GPW
    c0 = lo // CHUNK
    c1 = (hi + CHUNK - 1) // CHUNK
    nch = c1 - c0

    def chunk_base(c):
        return jnp.minimum(c * CHUNK, N - CHUNK)

    def issue(c, zdst, bdst, sz, sb):
        base = chunk_base(c)
        cz = pltpu.async_copy(z_hbm.at[pl.ds(base, CHUNK)], zdst, sz)
        cb = pltpu.async_copy(b_hbm.at[pl.ds(base, CHUNK)], bdst, sb)
        return cz, cb

    @pl.when(nch >= 1)
    def _():
        issue(c0, zbufa, bbufa, semz0, semb0)

    @pl.when(nch >= 2)
    def _():
        issue(c0 + 1, zbufb, bbufb, semz1, semb1)

    def zero_body(r, carry):
        for j in range(VP // 16):
            hist[r, pl.ds(j * 16, 16)] = zeros16
        return carry

    lax.fori_loop(0, GPW, zero_body, 0, unroll=2)

    def process(zb, bb, c):
        start = c * CHUNK
        base = chunk_base(c)
        lo_i4 = (jnp.maximum(lo, start) - base) // 64
        hi_i4 = (jnp.minimum(hi, base + CHUNK) - base + 63) // 64

        def vec_body4(i4, inner):
            for u in range(4):
                i = i4 * 4 + u
                zv = zb[pl.ds(i * 16, 16)]
                bv = bb[pl.ds(i * 16, 16)]
                rel = bv - g_base
                msk = ((rel >= 0) & (rel < GPW)
                       & (base + i * 16 + lanes >= start))
                rel = jnp.where(msk, rel, 0)
                plsc.addupdate_scatter(hist, [rel, zv], ones16, mask=msk)
            return inner

        lax.fori_loop(lo_i4, hi_i4, vec_body4, 0)

    def wait(zdst, bdst, sz, sb):
        pltpu.make_async_copy(z_hbm.at[pl.ds(0, CHUNK)], zdst, sz).wait()
        pltpu.make_async_copy(b_hbm.at[pl.ds(0, CHUNK)], bdst, sb).wait()

    @pl.when(nch >= 1)
    def _():
        wait(zbufa, bbufa, semz0, semb0)
        process(zbufa, bbufa, c0)

    @pl.when(nch >= 2)
    def _():
        wait(zbufb, bbufb, semz1, semb1)
        process(zbufb, bbufb, c0 + 1)

    def extra_body(c, carry):
        cz, cb = issue(c, zbufa, bbufa, semz0, semb0)
        cz.wait()
        cb.wait()
        process(zbufa, bbufa, c)
        return carry

    lax.fori_loop(c0 + 2, c1, extra_body, 0)

    pltpu.sync_copy(hist, out_hbm.at[pl.ds(g_base, GPW)])


def _head_body(hist_ref, emb_ref, w1_ref, b1_ref, w2_ref, b2_ref, out_ref):
    hist = hist_ref[...]
    counts = jnp.sum(hist, axis=1, keepdims=True)
    denom = jnp.maximum(counts, 1.0)
    V = emb_ref.shape[0]
    sums = lax.dot_general(hist[:, :V], emb_ref[...],
                           (((1,), (0,)), ((), ())),
                           preferred_element_type=jnp.float32)
    pooled = sums / denom
    h = jnp.maximum(
        lax.dot_general(pooled, w1_ref[...], (((1,), (1,)), ((), ())),
                        preferred_element_type=jnp.float32) + b1_ref[...],
        0.0)
    out = jnp.sum(h * w2_ref[...], axis=1) + b2_ref[0]
    out_ref[...] = out


def _head_call(hist, emb, w1, b1, w2, b2):
    return pl.pallas_call(
        _head_body,
        out_shape=jax.ShapeDtypeStruct((G,), jnp.float32),
        in_specs=[
            pl.BlockSpec(memory_space=pltpu.VMEM),
            pl.BlockSpec(memory_space=pltpu.VMEM),
            pl.BlockSpec(memory_space=pltpu.VMEM),
            pl.BlockSpec(memory_space=pltpu.VMEM),
            pl.BlockSpec(memory_space=pltpu.VMEM),
            pl.BlockSpec(memory_space=pltpu.SMEM),
        ],
        out_specs=pl.BlockSpec(memory_space=pltpu.VMEM),
    )(hist, emb, w1, b1, w2, b2)


def kernel(z, batch_ids, emb, W1, b1, W2, b2):
    z = z.astype(jnp.int32)
    b = batch_ids.astype(jnp.int32)

    bounds = _bounds_call(b.reshape(100, 1000))
    hist = _sc_hist(z, b, bounds)

    out = _head_call(
        hist,
        emb.astype(jnp.float32),
        W1.astype(jnp.float32),
        b1.astype(jnp.float32).reshape(1, H),
        W2.astype(jnp.float32),
        b2.astype(jnp.float32),
    )
    return out.reshape(G, 1)

# --- scband reference (transcript-rebuilt; emitter-appended) ---
"""Pipeline reference for scband-simple-mlp-19310172963187 (READ-ONLY COPY).

The authoritative reference and input builder live on the scoring server;
editing this copy changes nothing except your own understanding.
"""

import jax, jax.numpy as jnp
import numpy as np

N = 100000
G = 2048
V = 100
H = 128

def setup_inputs(seed: int = 0) -> dict:
    key = jax.random.key(seed)
    ks = jax.random.split(key, 6)
    z = jax.random.randint(ks[0], (N,), 0, V)
    batch_ids = jnp.sort(jax.random.randint(ks[1], (N,), 0, G))
    emb = jax.random.normal(ks[2], (V, H), dtype=jnp.float32) * 0.05
    W1 = jax.random.normal(ks[3], (H, H), dtype=jnp.float32) * (1.0 / np.sqrt(H))
    b1 = jnp.zeros((H,), dtype=jnp.float32)
    W2 = jax.random.normal(ks[4], (1, H), dtype=jnp.float32) * (1.0 / np.sqrt(H))
    b2 = jnp.zeros((1,), dtype=jnp.float32)
    return {"z": z, "batch_ids": batch_ids, "emb": emb, "W1": W1, "b1": b1, "W2": W2, "b2": b2}

def reference(z, batch_ids, emb, W1, b1, W2, b2):
    # embedding lookup (gather)
    x = jnp.take(emb, z, axis=0)                       # [N, H]
    # global_mean_pool: segment mean over graphs
    sums = jax.ops.segment_sum(x, batch_ids, num_segments=G)                               # [G, H]
    counts = jax.ops.segment_sum(jnp.ones((x.shape[0], 1), x.dtype), batch_ids, num_segments=G)  # [G, 1]
    pooled = sums / jnp.clip(counts, 1.0)
    # MLP head: Linear -> ReLU -> Linear (torch Linear: y = x @ W.T + b)
    h = jax.nn.relu(pooled @ W1.T + b1)
    out = h @ W2.T + b2                                 # [G, 1]
    return out

if __name__ == "__main__":
    import jax
    _d = setup_inputs()
    print(jax.jit(kernel)(*tuple(_d.values())))

</pallas_src>

<mosaic_0001>
#map = affine_map<(d0, d1) -> (0)>
#map1 = affine_map<(d0, d1) -> (0, 0)>
module attributes {stable_mosaic.version = 14 : i64} {
  func.func @_sc_hist(%arg0: i32, %arg1: i32, %arg2: memref<100000xi32, #tpu.memory_space<hbm>>, %arg3: memref<100000xi32, #tpu.memory_space<hbm>>, %arg4: memref<48xi32, #tpu.memory_space<hbm>>, %arg5: memref<2048x128xf32, #tpu.memory_space<hbm>>, %arg6: memref<4096xi32, #tpu.memory_space<vmem>>, %arg7: memref<4096xi32, #tpu.memory_space<vmem>>, %arg8: memref<4096xi32, #tpu.memory_space<vmem>>, %arg9: memref<4096xi32, #tpu.memory_space<vmem>>, %arg10: memref<64x128xf32, #tpu.memory_space<vmem>>, %arg11: memref<48xi32, #tpu.memory_space<vmem>>, %arg12: memref<!tpu.dma_semaphore, #tpu.memory_space<semaphore_mem>>, %arg13: memref<!tpu.dma_semaphore, #tpu.memory_space<semaphore_mem>>, %arg14: memref<!tpu.dma_semaphore, #tpu.memory_space<semaphore_mem>>, %arg15: memref<!tpu.dma_semaphore, #tpu.memory_space<semaphore_mem>>) attributes {dimension_semantics = [#tpu.dimension_semantics<core_parallel>, #tpu.dimension_semantics<subcore_parallel>], iteration_bounds = array<i64: 2, 16>, scalar_prefetch = 0 : i64, scratch_operands = 10 : i64, tpu.core_type = #tpu.core_type<sc_vector_subcore>, window_params = [{transform_indices = #map}, {transform_indices = #map}, {transform_indices = #map}, {transform_indices = #map1}]} {
    %mul3A = arith.constant 2 : i32
    %mul3A_0 = arith.muli %arg1, %mul3A : i32
    %add3A = arith.addi %mul3A_0, %arg0 : i32
    "tpu.region"() ({
      %run_scoped3A = tpu.sem_alloc : memref<!tpu.dma_semaphore, #tpu.memory_space<semaphore_mem>>
      tpu.enqueue_dma source(%arg4 : memref<48xi32, #tpu.memory_space<hbm>>) target(%arg11 : memref<48xi32, #tpu.memory_space<vmem>>) target_semaphore(%run_scoped3A : memref<!tpu.dma_semaphore, #tpu.memory_space<semaphore_mem>>)
      tpu.wait_dma2 semaphore(%run_scoped3A : memref<!tpu.dma_semaphore, #tpu.memory_space<semaphore_mem>>) src(%arg4 : memref<48xi32, #tpu.memory_space<hbm>>) dst(%arg11 : memref<48xi32, #tpu.memory_space<vmem>>)
      tpu.yield
    }) : () -> ()
    %get3A = arith.index_cast %add3A : i32 to index
    %get3A_1 = tpu.vector_load %arg11[%get3A] {strides = array<i32>} : memref<48xi32, #tpu.memory_space<vmem>>, vector<16xi32>,
    %slice3A = vector.extract_strided_slice %get3A_1 {offsets = [0], sizes = [1], strides = [1]} : vector<16xi32> to vector<1xi32>
    %squeeze3A = vector.extract %slice3A[0] : i32 from vector<1xi32>
    %add3A_2 = arith.constant 1 : i32
    %add3A_3 = arith.addi %add3A, %add3A_2 : i32
    %get3A_4 = arith.index_cast %add3A_3 : i32 to index
    %get3A_5 = tpu.vector_load %arg11[%get3A_4] {strides = array<i32>} : memref<48xi32, #tpu.memory_space<vmem>>, vector<16xi32>,
    %slice3A_6 = vector.extract_strided_slice %get3A_5 {offsets = [0], sizes = [1], strides = [1]} : vector<16xi32> to vector<1xi32>
    %squeeze3A_7 = vector.extract %slice3A_6[0] : i32 from vector<1xi32>
    %broadcast_in_dim3A = arith.constant 0.000000e+00 : f32
    %broadcast_in_dim3A_8 = vector.broadcast %broadcast_in_dim3A : f32 to vector<16xf32>
    %broadcast_in_dim3A_9 = arith.constant 1.000000e+00 : f32
    %broadcast_in_dim3A_10 = vector.broadcast %broadcast_in_dim3A_9 : f32 to vector<16xf32>
    %iota3A = tpu.iota {dimensions = array<i32: 0>} : vector<16xi32>
    %mul3A_11 = arith.constant 64 : i32
    %mul3A_12 = arith.muli %add3A, %mul3A_11 : i32
    %jit3A = arith.constant 4096 : i32
    %div3A = arith.divsi %squeeze3A, %jit3A : i32
    %sign3A = arith.constant 0 : i32
    %sign3A_13 = arith.cmpi sgt, %squeeze3A, %sign3A : i32
    %sign3A_14 = arith.extui %sign3A_13 : i1 to i32
    %sign3A_15 = arith.constant 0 : i32
    %sign3A_16 = arith.cmpi slt, %squeeze3A, %sign3A_15 : i32
    %sign3A_17 = arith.extui %sign3A_16 : i1 to i32
    %sign3A_18 = arith.subi %sign3A_14, %sign3A_17 : i32
    %sign3A_19 = arith.constant 0 : i32
    %sign3A_20 = arith.cmpi sgt, %jit3A, %sign3A_19 : i32
    %sign3A_21 = arith.extui %sign3A_20 : i1 to i32
    %sign3A_22 = arith.constant 0 : i32
    %sign3A_23 = arith.cmpi slt, %jit3A, %sign3A_22 : i32
    %sign3A_24 = arith.extui %sign3A_23 : i1 to i32
    %sign3A_25 = arith.subi %sign3A_21, %sign3A_24 : i32
    %ne3A = arith.cmpi ne, %sign3A_18, %sign3A_25 : i32
    %rem3A = arith.remsi %squeeze3A, %jit3A : i32
    %ne3A_26 = arith.constant 0 : i32
    %ne3A_27 = arith.cmpi ne, %rem3A, %ne3A_26 : i32
    %and3A = arith.andi %ne3A, %ne3A_27 : i1
    %sub3A = arith.constant 1 : i32
    %sub3A_28 = arith.subi %div3A, %sub3A : i32
    %select_n3A = arith.select %and3A, %sub3A_28, %div3A : i32
    %add3A_29 = arith.constant 4096 : i32
    %add3A_30 = arith.addi %squeeze3A_7, %add3A_29 : i32
    %sub3A_31 = arith.constant 1 : i32
    %sub3A_32 = arith.subi %add3A_30, %sub3A_31 : i32
    %jit3A_33 = arith.constant 4096 : i32
    %div3A_34 = arith.divsi %sub3A_32, %jit3A_33 : i32
    %sign3A_35 = arith.constant 0 : i32
    %sign3A_36 = arith.cmpi sgt, %sub3A_32, %sign3A_35 : i32
    %sign3A_37 = arith.extui %sign3A_36 : i1 to i32
    %sign3A_38 = arith.constant 0 : i32
    %sign3A_39 = arith.cmpi slt, %sub3A_32, %sign3A_38 : i32
    %sign3A_40 = arith.extui %sign3A_39 : i1 to i32
    %sign3A_41 = arith.subi %sign3A_37, %sign3A_40 : i32
    %sign3A_42 = arith.constant 0 : i32
    %sign3A_43 = arith.cmpi sgt, %jit3A_33, %sign3A_42 : i32
    %sign3A_44 = arith.extui %sign3A_43 : i1 to i32
    %sign3A_45 = arith.constant 0 : i32
    %sign3A_46 = arith.cmpi slt, %jit3A_33, %sign3A_45 : i32
    %sign3A_47 = arith.extui %sign3A_46 : i1 to i32
    %sign3A_48 = arith.subi %sign3A_44, %sign3A_47 : i32
    %ne3A_49 = arith.cmpi ne, %sign3A_41, %sign3A_48 : i32
    %rem3A_50 = arith.remsi %sub3A_32, %jit3A_33 : i32
    %ne3A_51 = arith.constant 0 : i32
    %ne3A_52 = arith.cmpi ne, %rem3A_50, %ne3A_51 : i32
    %and3A_53 = arith.andi %ne3A_49, %ne3A_52 : i1
    %sub3A_54 = arith.constant 1 : i32
    %sub3A_55 = arith.subi %div3A_34, %sub3A_54 : i32
    %select_n3A_56 = arith.select %and3A_53, %sub3A_55, %div3A_34 : i32
    %sub3A_57 = arith.subi %select_n3A_56, %select_n3A : i32
    %ge3A = arith.constant 1 : i32
    %ge3A_58 = arith.cmpi sge, %sub3A_57, %ge3A : i32
    %convert_element_type3A = arith.extui %ge3A_58 : i1 to i32
    %cond3A = arith.constant 0 : i32
    %cond3A_59 = arith.cmpi ne, %convert_element_type3A, %cond3A : i32
    scf.if %cond3A_59 {
      %mul3A_90 = arith.constant 4096 : i32
      %mul3A_91 = arith.muli %select_n3A, %mul3A_90 : i32
      %min3A = arith.constant 95904 : i32
      %min3A_92 = arith.minsi %mul3A_91, %min3A : i32
      %dma_start3A = tpu.memref_slice %arg2[%min3A_92] : memref<100000xi32, #tpu.memory_space<hbm>> -> memref<4096xi32, #tpu.memory_space<hbm>>
      %dma_start3A_93 = tpu.memref_slice %arg2[%min3A_92] : memref<100000xi32, #tpu.memory_space<hbm>> -> memref<4096xi32, #tpu.memory_space<hbm>>
      tpu.enqueue_dma source(%dma_start3A_93 : memref<4096xi32, #tpu.memory_space<hbm>>) target(%arg6 : memref<4096xi32, #tpu.memory_space<vmem>>) target_semaphore(%arg12 : memref<!tpu.dma_semaphore, #tpu.memory_space<semaphore_mem>>)
      %dma_start3A_94 = tpu.memref_slice %arg3[%min3A_92] : memref<100000xi32, #tpu.memory_space<hbm>> -> memref<4096xi32, #tpu.memory_space<hbm>>
      %dma_start3A_95 = tpu.memref_slice %arg3[%min3A_92] : memref<100000xi32, #tpu.memory_space<hbm>> -> memref<4096xi32, #tpu.memory_space<hbm>>
      tpu.enqueue_dma source(%dma_start3A_95 : memref<4096xi32, #tpu.memory_space<hbm>>) target(%arg8 : memref<4096xi32, #tpu.memory_space<vmem>>) target_semaphore(%arg14 : memref<!tpu.dma_semaphore, #tpu.memory_space<semaphore_mem>>)
    } else {
    }
    %ge3A_60 = arith.constant 2 : i32
    %ge3A_61 = arith.cmpi sge, %sub3A_57, %ge3A_60 : i32
    %convert_element_type3A_62 = arith.extui %ge3A_61 : i1 to i32
    %cond3A_63 = arith.constant 0 : i32
    %cond3A_64 = arith.cmpi ne, %convert_element_type3A_62, %cond3A_63 : i32
    scf.if %cond3A_64 {
      %add3A_90 = arith.constant 1 : i32
      %add3A_91 = arith.addi %select_n3A, %add3A_90 : i32
      %mul3A_92 = arith.constant 4096 : i32
      %mul3A_93 = arith.muli %add3A_91, %mul3A_92 : i32
      %min3A = arith.constant 95904 : i32
      %min3A_94 = arith.minsi %mul3A_93, %min3A : i32
      %dma_start3A = tpu.memref_slice %arg2[%min3A_94] : memref<100000xi32, #tpu.memory_space<hbm>> -> memref<4096xi32, #tpu.memory_space<hbm>>
      %dma_start3A_95 = tpu.memref_slice %arg2[%min3A_94] : memref<100000xi32, #tpu.memory_space<hbm>> -> memref<4096xi32, #tpu.memory_space<hbm>>
      tpu.enqueue_dma source(%dma_start3A_95 : memref<4096xi32, #tpu.memory_space<hbm>>) target(%arg7 : memref<4096xi32, #tpu.memory_space<vmem>>) target_semaphore(%arg13 : memref<!tpu.dma_semaphore, #tpu.memory_space<semaphore_mem>>)
      %dma_start3A_96 = tpu.memref_slice %arg3[%min3A_94] : memref<100000xi32, #tpu.memory_space<hbm>> -> memref<4096xi32, #tpu.memory_space<hbm>>
      %dma_start3A_97 = tpu.memref_slice %arg3[%min3A_94] : memref<100000xi32, #tpu.memory_space<hbm>> -> memref<4096xi32, #tpu.memory_space<hbm>>
      tpu.enqueue_dma source(%dma_start3A_97 : memref<4096xi32, #tpu.memory_space<hbm>>) target(%arg9 : memref<4096xi32, #tpu.memory_space<vmem>>) target_semaphore(%arg15 : memref<!tpu.dma_semaphore, #tpu.memory_space<semaphore_mem>>)
    } else {
    }
    %scan3A = arith.constant 0 : i32
    %scan3A_65 = arith.constant 0 : i32
    %scan3A_66 = arith.constant 64 : i32
    %scan3A_67 = arith.addi %scan3A_65, %scan3A_66 : i32
    %scan3A_68 = arith.constant 2 : i32
    scf.for %scan3A_90 = %scan3A_65 to %scan3A_67 step %scan3A_68  : i32 {
      %swap3A = arith.index_cast %scan3A_90 : i32 to index
      %swap3A_91 = arith.constant 0 : index
      %swap3A_92 = tpu.vector_load %arg10[%swap3A, %swap3A_91] {strides = array<i32>} : memref<64x128xf32, #tpu.memory_space<vmem>>, vector<16xf32>,
      tpu.vector_store %arg10[%swap3A, %swap3A_91], %broadcast_in_dim3A_8 {strides = array<i32>} : memref<64x128xf32, #tpu.memory_space<vmem>>, vector<16xf32>,
      %swap3A_93 = arith.index_cast %scan3A_90 : i32 to index
      %swap3A_94 = arith.constant 16 : index
      %swap3A_95 = tpu.vector_load %arg10[%swap3A_93, %swap3A_94] {strides = array<i32>} : memref<64x128xf32, #tpu.memory_space<vmem>>, vector<16xf32>,
      tpu.vector_store %arg10[%swap3A_93, %swap3A_94], %broadcast_in_dim3A_8 {strides = array<i32>} : memref<64x128xf32, #tpu.memory_space<vmem>>, vector<16xf32>,
      %swap3A_96 = arith.index_cast %scan3A_90 : i32 to index
      %swap3A_97 = arith.constant 32 : index
      %swap3A_98 = tpu.vector_load %arg10[%swap3A_96, %swap3A_97] {strides = array<i32>} : memref<64x128xf32, #tpu.memory_space<vmem>>, vector<16xf32>,
      tpu.vector_store %arg10[%swap3A_96, %swap3A_97], %broadcast_in_dim3A_8 {strides = array<i32>} : memref<64x128xf32, #tpu.memory_space<vmem>>, vector<16xf32>,
      %swap3A_99 = arith.index_cast %scan3A_90 : i32 to index
      %swap3A_100 = arith.constant 48 : index
      %swap3A_101 = tpu.vector_load %arg10[%swap3A_99, %swap3A_100] {strides = array<i32>} : memref<64x128xf32, #tpu.memory_space<vmem>>, vector<16xf32>,
      tpu.vector_store %arg10[%swap3A_99, %swap3A_100], %broadcast_in_dim3A_8 {strides = array<i32>} : memref<64x128xf32, #tpu.memory_space<vmem>>, vector<16xf32>,
      %swap3A_102 = arith.index_cast %scan3A_90 : i32 to index
      %swap3A_103 = arith.constant 64 : index
      %swap3A_104 = tpu.vector_load %arg10[%swap3A_102, %swap3A_103] {strides = array<i32>} : memref<64x128xf32, #tpu.memory_space<vmem>>, vector<16xf32>,
      tpu.vector_store %arg10[%swap3A_102, %swap3A_103], %broadcast_in_dim3A_8 {strides = array<i32>} : memref<64x128xf32, #tpu.memory_space<vmem>>, vector<16xf32>,
      %swap3A_105 = arith.index_cast %scan3A_90 : i32 to index
      %swap3A_106 = arith.constant 80 : index
      %swap3A_107 = tpu.vector_load %arg10[%swap3A_105, %swap3A_106] {strides = array<i32>} : memref<64x128xf32, #tpu.memory_space<vmem>>, vector<16xf32>,
      tpu.vector_store %arg10[%swap3A_105, %swap3A_106], %broadcast_in_dim3A_8 {strides = array<i32>} : memref<64x128xf32, #tpu.memory_space<vmem>>, vector<16xf32>,
      %swap3A_108 = arith.index_cast %scan3A_90 : i32 to index
      %swap3A_109 = arith.constant 96 : index
      %swap3A_110 = tpu.vector_load %arg10[%swap3A_108, %swap3A_109] {strides = array<i32>} : memref<64x128xf32, #tpu.memory_space<vmem>>, vector<16xf32>,
      tpu.vector_store %arg10[%swap3A_108, %swap3A_109], %broadcast_in_dim3A_8 {strides = array<i32>} : memref<64x128xf32, #tpu.memory_space<vmem>>, vector<16xf32>,
      %swap3A_111 = arith.index_cast %scan3A_90 : i32 to index
      %swap3A_112 = arith.constant 112 : index
      %swap3A_113 = tpu.vector_load %arg10[%swap3A_111, %swap3A_112] {strides = array<i32>} : memref<64x128xf32, #tpu.memory_space<vmem>>, vector<16xf32>,
      tpu.vector_store %arg10[%swap3A_111, %swap3A_112], %broadcast_in_dim3A_8 {strides = array<i32>} : memref<64x128xf32, #tpu.memory_space<vmem>>, vector<16xf32>,
      %scan3A_114 = arith.constant 1 : i32
      %scan3A_115 = arith.addi %scan3A_90, %scan3A_114 : i32
      %swap3A_116 = arith.index_cast %scan3A_115 : i32 to index
      %swap3A_117 = arith.constant 0 : index
      %swap3A_118 = tpu.vector_load %arg10[%swap3A_116, %swap3A_117] {strides = array<i32>} : memref<64x128xf32, #tpu.memory_space<vmem>>, vector<16xf32>,
      tpu.vector_store %arg10[%swap3A_116, %swap3A_117], %broadcast_in_dim3A_8 {strides = array<i32>} : memref<64x128xf32, #tpu.memory_space<vmem>>, vector<16xf32>,
      %swap3A_119 = arith.index_cast %scan3A_115 : i32 to index
      %swap3A_120 = arith.constant 16 : index
      %swap3A_121 = tpu.vector_load %arg10[%swap3A_119, %swap3A_120] {strides = array<i32>} : memref<64x128xf32, #tpu.memory_space<vmem>>, vector<16xf32>,
      tpu.vector_store %arg10[%swap3A_119, %swap3A_120], %broadcast_in_dim3A_8 {strides = array<i32>} : memref<64x128xf32, #tpu.memory_space<vmem>>, vector<16xf32>,
      %swap3A_122 = arith.index_cast %scan3A_115 : i32 to index
      %swap3A_123 = arith.constant 32 : index
      %swap3A_124 = tpu.vector_load %arg10[%swap3A_122, %swap3A_123] {strides = array<i32>} : memref<64x128xf32, #tpu.memory_space<vmem>>, vector<16xf32>,
      tpu.vector_store %arg10[%swap3A_122, %swap3A_123], %broadcast_in_dim3A_8 {strides = array<i32>} : memref<64x128xf32, #tpu.memory_space<vmem>>, vector<16xf32>,
      %swap3A_125 = arith.index_cast %scan3A_115 : i32 to index
      %swap3A_126 = arith.constant 48 : index
      %swap3A_127 = tpu.vector_load %arg10[%swap3A_125, %swap3A_126] {strides = array<i32>} : memref<64x128xf32, #tpu.memory_space<vmem>>, vector<16xf32>,
      tpu.vector_store %arg10[%swap3A_125, %swap3A_126], %broadcast_in_dim3A_8 {strides = array<i32>} : memref<64x128xf32, #tpu.memory_space<vmem>>, vector<16xf32>,
      %swap3A_128 = arith.index_cast %scan3A_115 : i32 to index
      %swap3A_129 = arith.constant 64 : index
      %swap3A_130 = tpu.vector_load %arg10[%swap3A_128, %swap3A_129] {strides = array<i32>} : memref<64x128xf32, #tpu.memory_space<vmem>>, vector<16xf32>,
      tpu.vector_store %arg10[%swap3A_128, %swap3A_129], %broadcast_in_dim3A_8 {strides = array<i32>} : memref<64x128xf32, #tpu.memory_space<vmem>>, vector<16xf32>,
      %swap3A_131 = arith.index_cast %scan3A_115 : i32 to index
      %swap3A_132 = arith.constant 80 : index
      %swap3A_133 = tpu.vector_load %arg10[%swap3A_131, %swap3A_132] {strides = array<i32>} : memref<64x128xf32, #tpu.memory_space<vmem>>, vector<16xf32>,
      tpu.vector_store %arg10[%swap3A_131, %swap3A_132], %broadcast_in_dim3A_8 {strides = array<i32>} : memref<64x128xf32, #tpu.memory_space<vmem>>, vector<16xf32>,
      %swap3A_134 = arith.index_cast %scan3A_115 : i32 to index
      %swap3A_135 = arith.constant 96 : index
      %swap3A_136 = tpu.vector_load %arg10[%swap3A_134, %swap3A_135] {strides = array<i32>} : memref<64x128xf32, #tpu.memory_space<vmem>>, vector<16xf32>,
      tpu.vector_store %arg10[%swap3A_134, %swap3A_135], %broadcast_in_dim3A_8 {strides = array<i32>} : memref<64x128xf32, #tpu.memory_space<vmem>>, vector<16xf32>,
      %swap3A_137 = arith.index_cast %scan3A_115 : i32 to index
      %swap3A_138 = arith.constant 112 : index
      %swap3A_139 = tpu.vector_load %arg10[%swap3A_137, %swap3A_138] {strides = array<i32>} : memref<64x128xf32, #tpu.memory_space<vmem>>, vector<16xf32>,
      tpu.vector_store %arg10[%swap3A_137, %swap3A_138], %broadcast_in_dim3A_8 {strides = array<i32>} : memref<64x128xf32, #tpu.memory_space<vmem>>, vector<16xf32>,
    }
    %scan3A_69 = arith.constant 64 : i32
    %ge3A_70 = arith.constant 1 : i32
    %ge3A_71 = arith.cmpi sge, %sub3A_57, %ge3A_70 : i32
    %convert_element_type3A_72 = arith.extui %ge3A_71 : i1 to i32
    %cond3A_73 = arith.constant 0 : i32
    %cond3A_74 = arith.cmpi ne, %convert_element_type3A_72, %cond3A_73 : i32
    scf.if %cond3A_74 {
      %dma_wait3A = arith.constant 0 : i32
      %dma_wait3A_90 = tpu.memref_slice %arg2[%dma_wait3A] : memref<100000xi32, #tpu.memory_space<hbm>> -> memref<4096xi32, #tpu.memory_space<hbm>>
      %dma_wait3A_91 = arith.constant 0 : i32
      %dma_wait3A_92 = tpu.memref_slice %arg2[%dma_wait3A_91] : memref<100000xi32, #tpu.memory_space<hbm>> -> memref<4096xi32, #tpu.memory_space<hbm>>
      tpu.wait_dma2 semaphore(%arg12 : memref<!tpu.dma_semaphore, #tpu.memory_space<semaphore_mem>>) src(%dma_wait3A_92 : memref<4096xi32, #tpu.memory_space<hbm>>) dst(%arg6 : memref<4096xi32, #tpu.memory_space<vmem>>)
      %dma_wait3A_93 = arith.constant 0 : i32
      %dma_wait3A_94 = tpu.memref_slice %arg3[%dma_wait3A_93] : memref<100000xi32, #tpu.memory_space<hbm>> -> memref<4096xi32, #tpu.memory_space<hbm>>
      %dma_wait3A_95 = arith.constant 0 : i32
      %dma_wait3A_96 = tpu.memref_slice %arg3[%dma_wait3A_95] : memref<100000xi32, #tpu.memory_space<hbm>> -> memref<4096xi32, #tpu.memory_space<hbm>>
      tpu.wait_dma2 semaphore(%arg14 : memref<!tpu.dma_semaphore, #tpu.memory_space<semaphore_mem>>) src(%dma_wait3A_96 : memref<4096xi32, #tpu.memory_space<hbm>>) dst(%arg8 : memref<4096xi32, #tpu.memory_space<vmem>>)
      %mul3A_97 = arith.constant 4096 : i32
      %mul3A_98 = arith.muli %select_n3A, %mul3A_97 : i32
      %mul3A_99 = arith.constant 4096 : i32
      %mul3A_100 = arith.muli %select_n3A, %mul3A_99 : i32
      %min3A = arith.constant 95904 : i32
      %min3A_101 = arith.minsi %mul3A_100, %min3A : i32
      %max3A = arith.maxsi %squeeze3A, %mul3A_98 : i32
      %sub3A_102 = arith.subi %max3A, %min3A_101 : i32
      %jit3A_103 = arith.constant 64 : i32
      %div3A_104 = arith.divsi %sub3A_102, %jit3A_103 : i32
      %sign3A_105 = arith.constant 0 : i32
      %sign3A_106 = arith.cmpi sgt, %sub3A_102, %sign3A_105 : i32
      %sign3A_107 = arith.extui %sign3A_106 : i1 to i32
      %sign3A_108 = arith.constant 0 : i32
      %sign3A_109 = arith.cmpi slt, %sub3A_102, %sign3A_108 : i32
      %sign3A_110 = arith.extui %sign3A_109 : i1 to i32
      %sign3A_111 = arith.subi %sign3A_107, %sign3A_110 : i32
      %sign3A_112 = arith.constant 0 : i32
      %sign3A_113 = arith.cmpi sgt, %jit3A_103, %sign3A_112 : i32
      %sign3A_114 = arith.extui %sign3A_113 : i1 to i32
      %sign3A_115 = arith.constant 0 : i32
      %sign3A_116 = arith.cmpi slt, %jit3A_103, %sign3A_115 : i32
      %sign3A_117 = arith.extui %sign3A_116 : i1 to i32
      %sign3A_118 = arith.subi %sign3A_114, %sign3A_117 : i32
      %ne3A_119 = arith.cmpi ne, %sign3A_111, %sign3A_118 : i32
      %rem3A_120 = arith.remsi %sub3A_102, %jit3A_103 : i32
      %ne3A_121 = arith.constant 0 : i32
      %ne3A_122 = arith.cmpi ne, %rem3A_120, %ne3A_121 : i32
      %and3A_123 = arith.andi %ne3A_119, %ne3A_122 : i1
      %sub3A_124 = arith.constant 1 : i32
      %sub3A_125 = arith.subi %div3A_104, %sub3A_124 : i32
      %select_n3A_126 = arith.select %and3A_123, %sub3A_125, %div3A_104 : i32
      %add3A_127 = arith.constant 4096 : i32
      %add3A_128 = arith.addi %min3A_101, %add3A_127 : i32
      %min3A_129 = arith.minsi %squeeze3A_7, %add3A_128 : i32
      %sub3A_130 = arith.subi %min3A_129, %min3A_101 : i32
      %add3A_131 = arith.constant 63 : i32
      %add3A_132 = arith.addi %sub3A_130, %add3A_131 : i32
      %jit3A_133 = arith.constant 64 : i32
      %div3A_134 = arith.divsi %add3A_132, %jit3A_133 : i32
      %sign3A_135 = arith.constant 0 : i32
      %sign3A_136 = arith.cmpi sgt, %add3A_132, %sign3A_135 : i32
      %sign3A_137 = arith.extui %sign3A_136 : i1 to i32
      %sign3A_138 = arith.constant 0 : i32
      %sign3A_139 = arith.cmpi slt, %add3A_132, %sign3A_138 : i32
      %sign3A_140 = arith.extui %sign3A_139 : i1 to i32
      %sign3A_141 = arith.subi %sign3A_137, %sign3A_140 : i32
      %sign3A_142 = arith.constant 0 : i32
      %sign3A_143 = arith.cmpi sgt, %jit3A_133, %sign3A_142 : i32
      %sign3A_144 = arith.extui %sign3A_143 : i1 to i32
      %sign3A_145 = arith.constant 0 : i32
      %sign3A_146 = arith.cmpi slt, %jit3A_133, %sign3A_145 : i32
      %sign3A_147 = arith.extui %sign3A_146 : i1 to i32
      %sign3A_148 = arith.subi %sign3A_144, %sign3A_147 : i32
      %ne3A_149 = arith.cmpi ne, %sign3A_141, %sign3A_148 : i32
      %rem3A_150 = arith.remsi %add3A_132, %jit3A_133 : i32
      %ne3A_151 = arith.constant 0 : i32
      %ne3A_152 = arith.cmpi ne, %rem3A_150, %ne3A_151 : i32
      %and3A_153 = arith.andi %ne3A_149, %ne3A_152 : i1
      %sub3A_154 = arith.constant 1 : i32
      %sub3A_155 = arith.subi %div3A_134, %sub3A_154 : i32
      %select_n3A_156 = arith.select %and3A_153, %sub3A_155, %div3A_134 : i32
      %while3A_157 = arith.constant 0 : i32
      %while3A_158 = arith.subi %select_n3A_156, %select_n3A_126 : i32
      %while3A_159 = arith.addi %select_n3A_126, %while3A_158 : i32
      %while3A_160 = arith.constant 1 : i32
      %while3A_161 = arith.divsi %while3A_158, %while3A_160 : i32
      %while3A_162 = arith.muli %while3A_161, %while3A_160 : i32
      %while3A_163 = arith.addi %select_n3A_126, %while3A_162 : i32
      %while3A_164 = arith.constant 1 : i32
      scf.for %while3A_166 = %select_n3A_126 to %while3A_163 step %while3A_164  : i32 {
        %mul3A_167 = arith.constant 4 : i32
        %mul3A_168 = arith.muli %while3A_166, %mul3A_167 : i32
        %add3A_169 = arith.constant 0 : i32
        %add3A_170 = arith.addi %mul3A_168, %add3A_169 : i32
        %mul3A_171 = arith.constant 16 : i32
        %mul3A_172 = arith.muli %add3A_170, %mul3A_171 : i32
        %get3A_173 = arith.index_cast %mul3A_172 : i32 to index
        %get3A_174 = tpu.vector_load %arg6[%get3A_173] {strides = array<i32>} : memref<4096xi32, #tpu.memory_space<vmem>>, vector<16xi32>,
        %mul3A_175 = arith.constant 16 : i32
        %mul3A_176 = arith.muli %add3A_170, %mul3A_175 : i32
        %get3A_177 = arith.index_cast %mul3A_176 : i32 to index
        %get3A_178 = tpu.vector_load %arg8[%get3A_177] {strides = array<i32>} : memref<4096xi32, #tpu.memory_space<vmem>>, vector<16xi32>,
        %sub3A_179 = vector.broadcast %mul3A_12 : i32 to vector<16xi32>
        %sub3A_180 = arith.subi %get3A_178, %sub3A_179 : vector<16xi32>
        %ge3A_181 = arith.constant 0 : i32
        %ge3A_182 = vector.broadcast %ge3A_181 : i32 to vector<16xi32>
        %ge3A_183 = arith.cmpi sge, %sub3A_180, %ge3A_182 : vector<16xi32>
        %lt3A = arith.constant 64 : i32
        %lt3A_184 = vector.broadcast %lt3A : i32 to vector<16xi32>
        %lt3A_185 = arith.cmpi slt, %sub3A_180, %lt3A_184 : vector<16xi32>
        %and3A_186 = arith.andi %ge3A_183, %lt3A_185 : vector<16xi1>
        %mul3A_187 = arith.constant 16 : i32
        %mul3A_188 = arith.muli %add3A_170, %mul3A_187 : i32
        %add3A_189 = arith.addi %min3A_101, %mul3A_188 : i32
        %add3A_190 = vector.broadcast %add3A_189 : i32 to vector<16xi32>
        %add3A_191 = arith.addi %add3A_190, %iota3A : vector<16xi32>
        %ge3A_192 = vector.broadcast %mul3A_98 : i32 to vector<16xi32>
        %ge3A_193 = arith.cmpi sge, %add3A_191, %ge3A_192 : vector<16xi32>
        %and3A_194 = arith.andi %and3A_186, %ge3A_193 : vector<16xi1>
        %jit3A_195 = arith.constant 0 : i32
        %broadcast_in_dim3A_196 = vector.broadcast %jit3A_195 : i32 to vector<16xi32>
        %select_n3A_197 = arith.select %and3A_194, %sub3A_180, %broadcast_in_dim3A_196 : vector<16xi1>, vector<16xi32>
        tpu.vector_store_idx %arg10[%select_n3A_197, %get3A_174], %broadcast_in_dim3A_10 masked %and3A_194 {add = true} : memref<64x128xf32, #tpu.memory_space<vmem>>[vector<16xi32>, vector<16xi32>], vector<16xf32>, vector<16xi1>
        %mul3A_198 = arith.constant 4 : i32
        %mul3A_199 = arith.muli %while3A_166, %mul3A_198 : i32
        %add3A_200 = arith.constant 1 : i32
        %add3A_201 = arith.addi %mul3A_199, %add3A_200 : i32
        %mul3A_202 = arith.constant 16 : i32
        %mul3A_203 = arith.muli %add3A_201, %mul3A_202 : i32
        %get3A_204 = arith.index_cast %mul3A_203 : i32 to index
        %get3A_205 = tpu.vector_load %arg6[%get3A_204] {strides = array<i32>} : memref<4096xi32, #tpu.memory_space<vmem>>, vector<16xi32>,
        %mul3A_206 = arith.constant 16 : i32
        %mul3A_207 = arith.muli %add3A_201, %mul3A_206 : i32
        %get3A_208 = arith.index_cast %mul3A_207 : i32 to index
        %get3A_209 = tpu.vector_load %arg8[%get3A_208] {strides = array<i32>} : memref<4096xi32, #tpu.memory_space<vmem>>, vector<16xi32>,
        %sub3A_210 = vector.broadcast %mul3A_12 : i32 to vector<16xi32>
        %sub3A_211 = arith.subi %get3A_209, %sub3A_210 : vector<16xi32>
        %ge3A_212 = arith.constant 0 : i32
        %ge3A_213 = vector.broadcast %ge3A_212 : i32 to vector<16xi32>
        %ge3A_214 = arith.cmpi sge, %sub3A_211, %ge3A_213 : vector<16xi32>
        %lt3A_215 = arith.constant 64 : i32
        %lt3A_216 = vector.broadcast %lt3A_215 : i32 to vector<16xi32>
        %lt3A_217 = arith.cmpi slt, %sub3A_211, %lt3A_216 : vector<16xi32>
        %and3A_218 = arith.andi %ge3A_214, %lt3A_217 : vector<16xi1>
        %mul3A_219 = arith.constant 16 : i32
        %mul3A_220 = arith.muli %add3A_201, %mul3A_219 : i32
        %add3A_221 = arith.addi %min3A_101, %mul3A_220 : i32
        %add3A_222 = vector.broadcast %add3A_221 : i32 to vector<16xi32>
        %add3A_223 = arith.addi %add3A_222, %iota3A : vector<16xi32>
        %ge3A_224 = vector.broadcast %mul3A_98 : i32 to vector<16xi32>
        %ge3A_225 = arith.cmpi sge, %add3A_223, %ge3A_224 : vector<16xi32>
        %and3A_226 = arith.andi %and3A_218, %ge3A_225 : vector<16xi1>
        %jit3A_227 = arith.constant 0 : i32
        %broadcast_in_dim3A_228 = vector.broadcast %jit3A_227 : i32 to vector<16xi32>
        %select_n3A_229 = arith.select %and3A_226, %sub3A_211, %broadcast_in_dim3A_228 : vector<16xi1>, vector<16xi32>
        tpu.vector_store_idx %arg10[%select_n3A_229, %get3A_205], %broadcast_in_dim3A_10 masked %and3A_226 {add = true} : memref<64x128xf32, #tpu.memory_space<vmem>>[vector<16xi32>, vector<16xi32>], vector<16xf32>, vector<16xi1>
        %mul3A_230 = arith.constant 4 : i32
        %mul3A_231 = arith.muli %while3A_166, %mul3A_230 : i32
        %add3A_232 = arith.constant 2 : i32
        %add3A_233 = arith.addi %mul3A_231, %add3A_232 : i32
        %mul3A_234 = arith.constant 16 : i32
        %mul3A_235 = arith.muli %add3A_233, %mul3A_234 : i32
        %get3A_236 = arith.index_cast %mul3A_235 : i32 to index
        %get3A_237 = tpu.vector_load %arg6[%get3A_236] {strides = array<i32>} : memref<4096xi32, #tpu.memory_space<vmem>>, vector<16xi32>,
        %mul3A_238 = arith.constant 16 : i32
        %mul3A_239 = arith.muli %add3A_233, %mul3A_238 : i32
        %get3A_240 = arith.index_cast %mul3A_239 : i32 to index
        %get3A_241 = tpu.vector_load %arg8[%get3A_240] {strides = array<i32>} : memref<4096xi32, #tpu.memory_space<vmem>>, vector<16xi32>,
        %sub3A_242 = vector.broadcast %mul3A_12 : i32 to vector<16xi32>
        %sub3A_243 = arith.subi %get3A_241, %sub3A_242 : vector<16xi32>
        %ge3A_244 = arith.constant 0 : i32
        %ge3A_245 = vector.broadcast %ge3A_244 : i32 to vector<16xi32>
        %ge3A_246 = arith.cmpi sge, %sub3A_243, %ge3A_245 : vector<16xi32>
        %lt3A_247 = arith.constant 64 : i32
        %lt3A_248 = vector.broadcast %lt3A_247 : i32 to vector<16xi32>
        %lt3A_249 = arith.cmpi slt, %sub3A_243, %lt3A_248 : vector<16xi32>
        %and3A_250 = arith.andi %ge3A_246, %lt3A_249 : vector<16xi1>
        %mul3A_251 = arith.constant 16 : i32
        %mul3A_252 = arith.muli %add3A_233, %mul3A_251 : i32
        %add3A_253 = arith.addi %min3A_101, %mul3A_252 : i32
        %add3A_254 = vector.broadcast %add3A_253 : i32 to vector<16xi32>
        %add3A_255 = arith.addi %add3A_254, %iota3A : vector<16xi32>
        %ge3A_256 = vector.broadcast %mul3A_98 : i32 to vector<16xi32>
        %ge3A_257 = arith.cmpi sge, %add3A_255, %ge3A_256 : vector<16xi32>
        %and3A_258 = arith.andi %and3A_250, %ge3A_257 : vector<16xi1>
        %jit3A_259 = arith.constant 0 : i32
        %broadcast_in_dim3A_260 = vector.broadcast %jit3A_259 : i32 to vector<16xi32>
        %select_n3A_261 = arith.select %and3A_258, %sub3A_243, %broadcast_in_dim3A_260 : vector<16xi1>, vector<16xi32>
        tpu.vector_store_idx %arg10[%select_n3A_261, %get3A_237], %broadcast_in_dim3A_10 masked %and3A_258 {add = true} : memref<64x128xf32, #tpu.memory_space<vmem>>[vector<16xi32>, vector<16xi32>], vector<16xf32>, vector<16xi1>
        %mul3A_262 = arith.constant 4 : i32
        %mul3A_263 = arith.muli %while3A_166, %mul3A_262 : i32
        %add3A_264 = arith.constant 3 : i32
        %add3A_265 = arith.addi %mul3A_263, %add3A_264 : i32
        %mul3A_266 = arith.constant 16 : i32
        %mul3A_267 = arith.muli %add3A_265, %mul3A_266 : i32
        %get3A_268 = arith.index_cast %mul3A_267 : i32 to index
        %get3A_269 = tpu.vector_load %arg6[%get3A_268] {strides = array<i32>} : memref<4096xi32, #tpu.memory_space<vmem>>, vector<16xi32>,
        %mul3A_270 = arith.constant 16 : i32
        %mul3A_271 = arith.muli %add3A_265, %mul3A_270 : i32
        %get3A_272 = arith.index_cast %mul3A_271 : i32 to index
        %get3A_273 = tpu.vector_load %arg8[%get3A_272] {strides = array<i32>} : memref<4096xi32, #tpu.memory_space<vmem>>, vector<16xi32>,
        %sub3A_274 = vector.broadcast %mul3A_12 : i32 to vector<16xi32>
        %sub3A_275 = arith.subi %get3A_273, %sub3A_274 : vector<16xi32>
        %ge3A_276 = arith.constant 0 : i32
        %ge3A_277 = vector.broadcast %ge3A_276 : i32 to vector<16xi32>
        %ge3A_278 = arith.cmpi sge, %sub3A_275, %ge3A_277 : vector<16xi32>
        %lt3A_279 = arith.constant 64 : i32
        %lt3A_280 = vector.broadcast %lt3A_279 : i32 to vector<16xi32>
        %lt3A_281 = arith.cmpi slt, %sub3A_275, %lt3A_280 : vector<16xi32>
        %and3A_282 = arith.andi %ge3A_278, %lt3A_281 : vector<16xi1>
        %mul3A_283 = arith.constant 16 : i32
        %mul3A_284 = arith.muli %add3A_265, %mul3A_283 : i32
        %add3A_285 = arith.addi %min3A_101, %mul3A_284 : i32
        %add3A_286 = vector.broadcast %add3A_285 : i32 to vector<16xi32>
        %add3A_287 = arith.addi %add3A_286, %iota3A : vector<16xi32>
        %ge3A_288 = vector.broadcast %mul3A_98 : i32 to vector<16xi32>
        %ge3A_289 = arith.cmpi sge, %add3A_287, %ge3A_288 : vector<16xi32>
        %and3A_290 = arith.andi %and3A_282, %ge3A_289 : vector<16xi1>
        %jit3A_291 = arith.constant 0 : i32
        %broadcast_in_dim3A_292 = vector.broadcast %jit3A_291 : i32 to vector<16xi32>
        %select_n3A_293 = arith.select %and3A_290, %sub3A_275, %broadcast_in_dim3A_292 : vector<16xi1>, vector<16xi32>
        tpu.vector_store_idx %arg10[%select_n3A_293, %get3A_269], %broadcast_in_dim3A_10 masked %and3A_290 {add = true} : memref<64x128xf32, #tpu.memory_space<vmem>>[vector<16xi32>, vector<16xi32>], vector<16xf32>, vector<16xi1>
      }
      %while3A_165 = arith.constant 1 : i32
      scf.for %while3A_166 = %while3A_163 to %while3A_159 step %while3A_165  : i32 {
        %mul3A_167 = arith.constant 4 : i32
        %mul3A_168 = arith.muli %while3A_166, %mul3A_167 : i32
        %add3A_169 = arith.constant 0 : i32
        %add3A_170 = arith.addi %mul3A_168, %add3A_169 : i32
        %mul3A_171 = arith.constant 16 : i32
        %mul3A_172 = arith.muli %add3A_170, %mul3A_171 : i32
        %get3A_173 = arith.index_cast %mul3A_172 : i32 to index
        %get3A_174 = tpu.vector_load %arg6[%get3A_173] {strides = array<i32>} : memref<4096xi32, #tpu.memory_space<vmem>>, vector<16xi32>,
        %mul3A_175 = arith.constant 16 : i32
        %mul3A_176 = arith.muli %add3A_170, %mul3A_175 : i32
        %get3A_177 = arith.index_cast %mul3A_176 : i32 to index
        %get3A_178 = tpu.vector_load %arg8[%get3A_177] {strides = array<i32>} : memref<4096xi32, #tpu.memory_space<vmem>>, vector<16xi32>,
        %sub3A_179 = vector.broadcast %mul3A_12 : i32 to vector<16xi32>
        %sub3A_180 = arith.subi %get3A_178, %sub3A_179 : vector<16xi32>
        %ge3A_181 = arith.constant 0 : i32
        %ge3A_182 = vector.broadcast %ge3A_181 : i32 to vector<16xi32>
        %ge3A_183 = arith.cmpi sge, %sub3A_180, %ge3A_182 : vector<16xi32>
        %lt3A = arith.constant 64 : i32
        %lt3A_184 = vector.broadcast %lt3A : i32 to vector<16xi32>
        %lt3A_185 = arith.cmpi slt, %sub3A_180, %lt3A_184 : vector<16xi32>
        %and3A_186 = arith.andi %ge3A_183, %lt3A_185 : vector<16xi1>
        %mul3A_187 = arith.constant 16 : i32
        %mul3A_188 = arith.muli %add3A_170, %mul3A_187 : i32
        %add3A_189 = arith.addi %min3A_101, %mul3A_188 : i32
        %add3A_190 = vector.broadcast %add3A_189 : i32 to vector<16xi32>
        %add3A_191 = arith.addi %add3A_190, %iota3A : vector<16xi32>
        %ge3A_192 = vector.broadcast %mul3A_98 : i32 to vector<16xi32>
        %ge3A_193 = arith.cmpi sge, %add3A_191, %ge3A_192 : vector<16xi32>
        %and3A_194 = arith.andi %and3A_186, %ge3A_193 : vector<16xi1>
        %jit3A_195 = arith.constant 0 : i32
        %broadcast_in_dim3A_196 = vector.broadcast %jit3A_195 : i32 to vector<16xi32>
        %select_n3A_197 = arith.select %and3A_194, %sub3A_180, %broadcast_in_dim3A_196 : vector<16xi1>, vector<16xi32>
        tpu.vector_store_idx %arg10[%select_n3A_197, %get3A_174], %broadcast_in_dim3A_10 masked %and3A_194 {add = true} : memref<64x128xf32, #tpu.memory_space<vmem>>[vector<16xi32>, vector<16xi32>], vector<16xf32>, vector<16xi1>
        %mul3A_198 = arith.constant 4 : i32
        %mul3A_199 = arith.muli %while3A_166, %mul3A_198 : i32
        %add3A_200 = arith.constant 1 : i32
        %add3A_201 = arith.addi %mul3A_199, %add3A_200 : i32
        %mul3A_202 = arith.constant 16 : i32
        %mul3A_203 = arith.muli %add3A_201, %mul3A_202 : i32
        %get3A_204 = arith.index_cast %mul3A_203 : i32 to index
        %get3A_205 = tpu.vector_load %arg6[%get3A_204] {strides = array<i32>} : memref<4096xi32, #tpu.memory_space<vmem>>, vector<16xi32>,
        %mul3A_206 = arith.constant 16 : i32
        %mul3A_207 = arith.muli %add3A_201, %mul3A_206 : i32
        %get3A_208 = arith.index_cast %mul3A_207 : i32 to index
        %get3A_209 = tpu.vector_load %arg8[%get3A_208] {strides = array<i32>} : memref<4096xi32, #tpu.memory_space<vmem>>, vector<16xi32>,
        %sub3A_210 = vector.broadcast %mul3A_12 : i32 to vector<16xi32>
        %sub3A_211 = arith.subi %get3A_209, %sub3A_210 : vector<16xi32>
        %ge3A_212 = arith.constant 0 : i32
        %ge3A_213 = vector.broadcast %ge3A_212 : i32 to vector<16xi32>
        %ge3A_214 = arith.cmpi sge, %sub3A_211, %ge3A_213 : vector<16xi32>
        %lt3A_215 = arith.constant 64 : i32
        %lt3A_216 = vector.broadcast %lt3A_215 : i32 to vector<16xi32>
        %lt3A_217 = arith.cmpi slt, %sub3A_211, %lt3A_216 : vector<16xi32>
        %and3A_218 = arith.andi %ge3A_214, %lt3A_217 : vector<16xi1>
        %mul3A_219 = arith.constant 16 : i32
        %mul3A_220 = arith.muli %add3A_201, %mul3A_219 : i32
        %add3A_221 = arith.addi %min3A_101, %mul3A_220 : i32
        %add3A_222 = vector.broadcast %add3A_221 : i32 to vector<16xi32>
        %add3A_223 = arith.addi %add3A_222, %iota3A : vector<16xi32>
        %ge3A_224 = vector.broadcast %mul3A_98 : i32 to vector<16xi32>
        %ge3A_225 = arith.cmpi sge, %add3A_223, %ge3A_224 : vector<16xi32>
        %and3A_226 = arith.andi %and3A_218, %ge3A_225 : vector<16xi1>
        %jit3A_227 = arith.constant 0 : i32
        %broadcast_in_dim3A_228 = vector.broadcast %jit3A_227 : i32 to vector<16xi32>
        %select_n3A_229 = arith.select %and3A_226, %sub3A_211, %broadcast_in_dim3A_228 : vector<16xi1>, vector<16xi32>
        tpu.vector_store_idx %arg10[%select_n3A_229, %get3A_205], %broadcast_in_dim3A_10 masked %and3A_226 {add = true} : memref<64x128xf32, #tpu.memory_space<vmem>>[vector<16xi32>, vector<16xi32>], vector<16xf32>, vector<16xi1>
        %mul3A_230 = arith.constant 4 : i32
        %mul3A_231 = arith.muli %while3A_166, %mul3A_230 : i32
        %add3A_232 = arith.constant 2 : i32
        %add3A_233 = arith.addi %mul3A_231, %add3A_232 : i32
        %mul3A_234 = arith.constant 16 : i32
        %mul3A_235 = arith.muli %add3A_233, %mul3A_234 : i32
        %get3A_236 = arith.index_cast %mul3A_235 : i32 to index
        %get3A_237 = tpu.vector_load %arg6[%get3A_236] {strides = array<i32>} : memref<4096xi32, #tpu.memory_space<vmem>>, vector<16xi32>,
        %mul3A_238 = arith.constant 16 : i32
        %mul3A_239 = arith.muli %add3A_233, %mul3A_238 : i32
        %get3A_240 = arith.index_cast %mul3A_239 : i32 to index
        %get3A_241 = tpu.vector_load %arg8[%get3A_240] {strides = array<i32>} : memref<4096xi32, #tpu.memory_space<vmem>>, vector<16xi32>,
        %sub3A_242 = vector.broadcast %mul3A_12 : i32 to vector<16xi32>
        %sub3A_243 = arith.subi %get3A_241, %sub3A_242 : vector<16xi32>
        %ge3A_244 = arith.constant 0 : i32
        %ge3A_245 = vector.broadcast %ge3A_244 : i32 to vector<16xi32>
        %ge3A_246 = arith.cmpi sge, %sub3A_243, %ge3A_245 : vector<16xi32>
        %lt3A_247 = arith.constant 64 : i32
        %lt3A_248 = vector.broadcast %lt3A_247 : i32 to vector<16xi32>
        %lt3A_249 = arith.cmpi slt, %sub3A_243, %lt3A_248 : vector<16xi32>
        %and3A_250 = arith.andi %ge3A_246, %lt3A_249 : vector<16xi1>
        %mul3A_251 = arith.constant 16 : i32
        %mul3A_252 = arith.muli %add3A_233, %mul3A_251 : i32
        %add3A_253 = arith.addi %min3A_101, %mul3A_252 : i32
        %add3A_254 = vector.broadcast %add3A_253 : i32 to vector<16xi32>
        %add3A_255 = arith.addi %add3A_254, %iota3A : vector<16xi32>
        %ge3A_256 = vector.broadcast %mul3A_98 : i32 to vector<16xi32>
        %ge3A_257 = arith.cmpi sge, %add3A_255, %ge3A_256 : vector<16xi32>
        %and3A_258 = arith.andi %and3A_250, %ge3A_257 : vector<16xi1>
        %jit3A_259 = arith.constant 0 : i32
        %broadcast_in_dim3A_260 = vector.broadcast %jit3A_259 : i32 to vector<16xi32>
        %select_n3A_261 = arith.select %and3A_258, %sub3A_243, %broadcast_in_dim3A_260 : vector<16xi1>, vector<16xi32>
        tpu.vector_store_idx %arg10[%select_n3A_261, %get3A_237], %broadcast_in_dim3A_10 masked %and3A_258 {add = true} : memref<64x128xf32, #tpu.memory_space<vmem>>[vector<16xi32>, vector<16xi32>], vector<16xf32>, vector<16xi1>
        %mul3A_262 = arith.constant 4 : i32
        %mul3A_263 = arith.muli %while3A_166, %mul3A_262 : i32
        %add3A_264 = arith.constant 3 : i32
        %add3A_265 = arith.addi %mul3A_263, %add3A_264 : i32
        %mul3A_266 = arith.constant 16 : i32
        %mul3A_267 = arith.muli %add3A_265, %mul3A_266 : i32
        %get3A_268 = arith.index_cast %mul3A_267 : i32 to index
        %get3A_269 = tpu.vector_load %arg6[%get3A_268] {strides = array<i32>} : memref<4096xi32, #tpu.memory_space<vmem>>, vector<16xi32>,
        %mul3A_270 = arith.constant 16 : i32
        %mul3A_271 = arith.muli %add3A_265, %mul3A_270 : i32
        %get3A_272 = arith.index_cast %mul3A_271 : i32 to index
        %get3A_273 = tpu.vector_load %arg8[%get3A_272] {strides = array<i32>} : memref<4096xi32, #tpu.memory_space<vmem>>, vector<16xi32>,
        %sub3A_274 = vector.broadcast %mul3A_12 : i32 to vector<16xi32>
        %sub3A_275 = arith.subi %get3A_273, %sub3A_274 : vector<16xi32>
        %ge3A_276 = arith.constant 0 : i32
        %ge3A_277 = vector.broadcast %ge3A_276 : i32 to vector<16xi32>
        %ge3A_278 = arith.cmpi sge, %sub3A_275, %ge3A_277 : vector<16xi32>
        %lt3A_279 = arith.constant 64 : i32
        %lt3A_280 = vector.broadcast %lt3A_279 : i32 to vector<16xi32>
        %lt3A_281 = arith.cmpi slt, %sub3A_275, %lt3A_280 : vector<16xi32>
        %and3A_282 = arith.andi %ge3A_278, %lt3A_281 : vector<16xi1>
        %mul3A_283 = arith.constant 16 : i32
        %mul3A_284 = arith.muli %add3A_265, %mul3A_283 : i32
        %add3A_285 = arith.addi %min3A_101, %mul3A_284 : i32
        %add3A_286 = vector.broadcast %add3A_285 : i32 to vector<16xi32>
        %add3A_287 = arith.addi %add3A_286, %iota3A : vector<16xi32>
        %ge3A_288 = vector.broadcast %mul3A_98 : i32 to vector<16xi32>
        %ge3A_289 = arith.cmpi sge, %add3A_287, %ge3A_288 : vector<16xi32>
        %and3A_290 = arith.andi %and3A_282, %ge3A_289 : vector<16xi1>
        %jit3A_291 = arith.constant 0 : i32
        %broadcast_in_dim3A_292 = vector.broadcast %jit3A_291 : i32 to vector<16xi32>
        %select_n3A_293 = arith.select %and3A_290, %sub3A_275, %broadcast_in_dim3A_292 : vector<16xi1>, vector<16xi32>
        tpu.vector_store_idx %arg10[%select_n3A_293, %get3A_269], %broadcast_in_dim3A_10 masked %and3A_290 {add = true} : memref<64x128xf32, #tpu.memory_space<vmem>>[vector<16xi32>, vector<16xi32>], vector<16xf32>, vector<16xi1>
      }
    } else {
    }
    %ge3A_75 = arith.constant 2 : i32
    %ge3A_76 = arith.cmpi sge, %sub3A_57, %ge3A_75 : i32
    %convert_element_type3A_77 = arith.extui %ge3A_76 : i1 to i32
    %cond3A_78 = arith.constant 0 : i32
    %cond3A_79 = arith.cmpi ne, %convert_element_type3A_77, %cond3A_78 : i32
    scf.if %cond3A_79 {
      %dma_wait3A = arith.constant 0 : i32
      %dma_wait3A_90 = tpu.memref_slice %arg2[%dma_wait3A] : memref<100000xi32, #tpu.memory_space<hbm>> -> memref<4096xi32, #tpu.memory_space<hbm>>
      %dma_wait3A_91 = arith.constant 0 : i32
      %dma_wait3A_92 = tpu.memref_slice %arg2[%dma_wait3A_91] : memref<100000xi32, #tpu.memory_space<hbm>> -> memref<4096xi32, #tpu.memory_space<hbm>>
      tpu.wait_dma2 semaphore(%arg13 : memref<!tpu.dma_semaphore, #tpu.memory_space<semaphore_mem>>) src(%dma_wait3A_92 : memref<4096xi32, #tpu.memory_space<hbm>>) dst(%arg7 : memref<4096xi32, #tpu.memory_space<vmem>>)
      %dma_wait3A_93 = arith.constant 0 : i32
      %dma_wait3A_94 = tpu.memref_slice %arg3[%dma_wait3A_93] : memref<100000xi32, #tpu.memory_space<hbm>> -> memref<4096xi32, #tpu.memory_space<hbm>>
      %dma_wait3A_95 = arith.constant 0 : i32
      %dma_wait3A_96 = tpu.memref_slice %arg3[%dma_wait3A_95] : memref<100000xi32, #tpu.memory_space<hbm>> -> memref<4096xi32, #tpu.memory_space<hbm>>
      tpu.wait_dma2 semaphore(%arg15 : memref<!tpu.dma_semaphore, #tpu.memory_space<semaphore_mem>>) src(%dma_wait3A_96 : memref<4096xi32, #tpu.memory_space<hbm>>) dst(%arg9 : memref<4096xi32, #tpu.memory_space<vmem>>)
      %add3A_97 = arith.constant 1 : i32
      %add3A_98 = arith.addi %select_n3A, %add3A_97 : i32
      %mul3A_99 = arith.constant 4096 : i32
      %mul3A_100 = arith.muli %add3A_98, %mul3A_99 : i32
      %mul3A_101 = arith.constant 4096 : i32
      %mul3A_102 = arith.muli %add3A_98, %mul3A_101 : i32
      %min3A = arith.constant 95904 : i32
      %min3A_103 = arith.minsi %mul3A_102, %min3A : i32
      %max3A = arith.maxsi %squeeze3A, %mul3A_100 : i32
      %sub3A_104 = arith.subi %max3A, %min3A_103 : i32
      %jit3A_105 = arith.constant 64 : i32
      %div3A_106 = arith.divsi %sub3A_104, %jit3A_105 : i32
      %sign3A_107 = arith.constant 0 : i32
      %sign3A_108 = arith.cmpi sgt, %sub3A_104, %sign3A_107 : i32
      %sign3A_109 = arith.extui %sign3A_108 : i1 to i32
      %sign3A_110 = arith.constant 0 : i32
      %sign3A_111 = arith.cmpi slt, %sub3A_104, %sign3A_110 : i32
      %sign3A_112 = arith.extui %sign3A_111 : i1 to i32
      %sign3A_113 = arith.subi %sign3A_109, %sign3A_112 : i32
      %sign3A_114 = arith.constant 0 : i32
      %sign3A_115 = arith.cmpi sgt, %jit3A_105, %sign3A_114 : i32
      %sign3A_116 = arith.extui %sign3A_115 : i1 to i32
      %sign3A_117 = arith.constant 0 : i32
      %sign3A_118 = arith.cmpi slt, %jit3A_105, %sign3A_117 : i32
      %sign3A_119 = arith.extui %sign3A_118 : i1 to i32
      %sign3A_120 = arith.subi %sign3A_116, %sign3A_119 : i32
      %ne3A_121 = arith.cmpi ne, %sign3A_113, %sign3A_120 : i32
      %rem3A_122 = arith.remsi %sub3A_104, %jit3A_105 : i32
      %ne3A_123 = arith.constant 0 : i32
      %ne3A_124 = arith.cmpi ne, %rem3A_122, %ne3A_123 : i32
      %and3A_125 = arith.andi %ne3A_121, %ne3A_124 : i1
      %sub3A_126 = arith.constant 1 : i32
      %sub3A_127 = arith.subi %div3A_106, %sub3A_126 : i32
      %select_n3A_128 = arith.select %and3A_125, %sub3A_127, %div3A_106 : i32
      %add3A_129 = arith.constant 4096 : i32
      %add3A_130 = arith.addi %min3A_103, %add3A_129 : i32
      %min3A_131 = arith.minsi %squeeze3A_7, %add3A_130 : i32
      %sub3A_132 = arith.subi %min3A_131, %min3A_103 : i32
      %add3A_133 = arith.constant 63 : i32
      %add3A_134 = arith.addi %sub3A_132, %add3A_133 : i32
      %jit3A_135 = arith.constant 64 : i32
      %div3A_136 = arith.divsi %add3A_134, %jit3A_135 : i32
      %sign3A_137 = arith.constant 0 : i32
      %sign3A_138 = arith.cmpi sgt, %add3A_134, %sign3A_137 : i32
      %sign3A_139 = arith.extui %sign3A_138 : i1 to i32
      %sign3A_140 = arith.constant 0 : i32
      %sign3A_141 = arith.cmpi slt, %add3A_134, %sign3A_140 : i32
      %sign3A_142 = arith.extui %sign3A_141 : i1 to i32
      %sign3A_143 = arith.subi %sign3A_139, %sign3A_142 : i32
      %sign3A_144 = arith.constant 0 : i32
      %sign3A_145 = arith.cmpi sgt, %jit3A_135, %sign3A_144 : i32
      %sign3A_146 = arith.extui %sign3A_145 : i1 to i32
      %sign3A_147 = arith.constant 0 : i32
      %sign3A_148 = arith.cmpi slt, %jit3A_135, %sign3A_147 : i32
      %sign3A_149 = arith.extui %sign3A_148 : i1 to i32
      %sign3A_150 = arith.subi %sign3A_146, %sign3A_149 : i32
      %ne3A_151 = arith.cmpi ne, %sign3A_143, %sign3A_150 : i32
      %rem3A_152 = arith.remsi %add3A_134, %jit3A_135 : i32
      %ne3A_153 = arith.constant 0 : i32
      %ne3A_154 = arith.cmpi ne, %rem3A_152, %ne3A_153 : i32
      %and3A_155 = arith.andi %ne3A_151, %ne3A_154 : i1
      %sub3A_156 = arith.constant 1 : i32
      %sub3A_157 = arith.subi %div3A_136, %sub3A_156 : i32
      %select_n3A_158 = arith.select %and3A_155, %sub3A_157, %div3A_136 : i32
      %while3A_159 = arith.constant 0 : i32
      %while3A_160 = arith.subi %select_n3A_158, %select_n3A_128 : i32
      %while3A_161 = arith.addi %select_n3A_128, %while3A_160 : i32
      %while3A_162 = arith.constant 1 : i32
      %while3A_163 = arith.divsi %while3A_160, %while3A_162 : i32
      %while3A_164 = arith.muli %while3A_163, %while3A_162 : i32
      %while3A_165 = arith.addi %select_n3A_128, %while3A_164 : i32
      %while3A_166 = arith.constant 1 : i32
      scf.for %while3A_168 = %select_n3A_128 to %while3A_165 step %while3A_166  : i32 {
        %mul3A_169 = arith.constant 4 : i32
        %mul3A_170 = arith.muli %while3A_168, %mul3A_169 : i32
        %add3A_171 = arith.constant 0 : i32
        %add3A_172 = arith.addi %mul3A_170, %add3A_171 : i32
        %mul3A_173 = arith.constant 16 : i32
        %mul3A_174 = arith.muli %add3A_172, %mul3A_173 : i32
        %get3A_175 = arith.index_cast %mul3A_174 : i32 to index
        %get3A_176 = tpu.vector_load %arg7[%get3A_175] {strides = array<i32>} : memref<4096xi32, #tpu.memory_space<vmem>>, vector<16xi32>,
        %mul3A_177 = arith.constant 16 : i32
        %mul3A_178 = arith.muli %add3A_172, %mul3A_177 : i32
        %get3A_179 = arith.index_cast %mul3A_178 : i32 to index
        %get3A_180 = tpu.vector_load %arg9[%get3A_179] {strides = array<i32>} : memref<4096xi32, #tpu.memory_space<vmem>>, vector<16xi32>,
        %sub3A_181 = vector.broadcast %mul3A_12 : i32 to vector<16xi32>
        %sub3A_182 = arith.subi %get3A_180, %sub3A_181 : vector<16xi32>
        %ge3A_183 = arith.constant 0 : i32
        %ge3A_184 = vector.broadcast %ge3A_183 : i32 to vector<16xi32>
        %ge3A_185 = arith.cmpi sge, %sub3A_182, %ge3A_184 : vector<16xi32>
        %lt3A = arith.constant 64 : i32
        %lt3A_186 = vector.broadcast %lt3A : i32 to vector<16xi32>
        %lt3A_187 = arith.cmpi slt, %sub3A_182, %lt3A_186 : vector<16xi32>
        %and3A_188 = arith.andi %ge3A_185, %lt3A_187 : vector<16xi1>
        %mul3A_189 = arith.constant 16 : i32
        %mul3A_190 = arith.muli %add3A_172, %mul3A_189 : i32
        %add3A_191 = arith.addi %min3A_103, %mul3A_190 : i32
        %add3A_192 = vector.broadcast %add3A_191 : i32 to vector<16xi32>
        %add3A_193 = arith.addi %add3A_192, %iota3A : vector<16xi32>
        %ge3A_194 = vector.broadcast %mul3A_100 : i32 to vector<16xi32>
        %ge3A_195 = arith.cmpi sge, %add3A_193, %ge3A_194 : vector<16xi32>
        %and3A_196 = arith.andi %and3A_188, %ge3A_195 : vector<16xi1>
        %jit3A_197 = arith.constant 0 : i32
        %broadcast_in_dim3A_198 = vector.broadcast %jit3A_197 : i32 to vector<16xi32>
        %select_n3A_199 = arith.select %and3A_196, %sub3A_182, %broadcast_in_dim3A_198 : vector<16xi1>, vector<16xi32>
        tpu.vector_store_idx %arg10[%select_n3A_199, %get3A_176], %broadcast_in_dim3A_10 masked %and3A_196 {add = true} : memref<64x128xf32, #tpu.memory_space<vmem>>[vector<16xi32>, vector<16xi32>], vector<16xf32>, vector<16xi1>
        %mul3A_200 = arith.constant 4 : i32
        %mul3A_201 = arith.muli %while3A_168, %mul3A_200 : i32
        %add3A_202 = arith.constant 1 : i32
        %add3A_203 = arith.addi %mul3A_201, %add3A_202 : i32
        %mul3A_204 = arith.constant 16 : i32
        %mul3A_205 = arith.muli %add3A_203, %mul3A_204 : i32
        %get3A_206 = arith.index_cast %mul3A_205 : i32 to index
        %get3A_207 = tpu.vector_load %arg7[%get3A_206] {strides = array<i32>} : memref<4096xi32, #tpu.memory_space<vmem>>, vector<16xi32>,
        %mul3A_208 = arith.constant 16 : i32
        %mul3A_209 = arith.muli %add3A_203, %mul3A_208 : i32
        %get3A_210 = arith.index_cast %mul3A_209 : i32 to index
        %get3A_211 = tpu.vector_load %arg9[%get3A_210] {strides = array<i32>} : memref<4096xi32, #tpu.memory_space<vmem>>, vector<16xi32>,
        %sub3A_212 = vector.broadcast %mul3A_12 : i32 to vector<16xi32>
        %sub3A_213 = arith.subi %get3A_211, %sub3A_212 : vector<16xi32>
        %ge3A_214 = arith.constant 0 : i32
        %ge3A_215 = vector.broadcast %ge3A_214 : i32 to vector<16xi32>
        %ge3A_216 = arith.cmpi sge, %sub3A_213, %ge3A_215 : vector<16xi32>
        %lt3A_217 = arith.constant 64 : i32
        %lt3A_218 = vector.broadcast %lt3A_217 : i32 to vector<16xi32>
        %lt3A_219 = arith.cmpi slt, %sub3A_213, %lt3A_218 : vector<16xi32>
        %and3A_220 = arith.andi %ge3A_216, %lt3A_219 : vector<16xi1>
        %mul3A_221 = arith.constant 16 : i32
        %mul3A_222 = arith.muli %add3A_203, %mul3A_221 : i32
        %add3A_223 = arith.addi %min3A_103, %mul3A_222 : i32
        %add3A_224 = vector.broadcast %add3A_223 : i32 to vector<16xi32>
        %add3A_225 = arith.addi %add3A_224, %iota3A : vector<16xi32>
        %ge3A_226 = vector.broadcast %mul3A_100 : i32 to vector<16xi32>
        %ge3A_227 = arith.cmpi sge, %add3A_225, %ge3A_226 : vector<16xi32>
        %and3A_228 = arith.andi %and3A_220, %ge3A_227 : vector<16xi1>
        %jit3A_229 = arith.constant 0 : i32
        %broadcast_in_dim3A_230 = vector.broadcast %jit3A_229 : i32 to vector<16xi32>
        %select_n3A_231 = arith.select %and3A_228, %sub3A_213, %broadcast_in_dim3A_230 : vector<16xi1>, vector<16xi32>
        tpu.vector_store_idx %arg10[%select_n3A_231, %get3A_207], %broadcast_in_dim3A_10 masked %and3A_228 {add = true} : memref<64x128xf32, #tpu.memory_space<vmem>>[vector<16xi32>, vector<16xi32>], vector<16xf32>, vector<16xi1>
        %mul3A_232 = arith.constant 4 : i32
        %mul3A_233 = arith.muli %while3A_168, %mul3A_232 : i32
        %add3A_234 = arith.constant 2 : i32
        %add3A_235 = arith.addi %mul3A_233, %add3A_234 : i32
        %mul3A_236 = arith.constant 16 : i32
        %mul3A_237 = arith.muli %add3A_235, %mul3A_236 : i32
        %get3A_238 = arith.index_cast %mul3A_237 : i32 to index
        %get3A_239 = tpu.vector_load %arg7[%get3A_238] {strides = array<i32>} : memref<4096xi32, #tpu.memory_space<vmem>>, vector<16xi32>,
        %mul3A_240 = arith.constant 16 : i32
        %mul3A_241 = arith.muli %add3A_235, %mul3A_240 : i32
        %get3A_242 = arith.index_cast %mul3A_241 : i32 to index
        %get3A_243 = tpu.vector_load %arg9[%get3A_242] {strides = array<i32>} : memref<4096xi32, #tpu.memory_space<vmem>>, vector<16xi32>,
        %sub3A_244 = vector.broadcast %mul3A_12 : i32 to vector<16xi32>
        %sub3A_245 = arith.subi %get3A_243, %sub3A_244 : vector<16xi32>
        %ge3A_246 = arith.constant 0 : i32
        %ge3A_247 = vector.broadcast %ge3A_246 : i32 to vector<16xi32>
        %ge3A_248 = arith.cmpi sge, %sub3A_245, %ge3A_247 : vector<16xi32>
        %lt3A_249 = arith.constant 64 : i32
        %lt3A_250 = vector.broadcast %lt3A_249 : i32 to vector<16xi32>
        %lt3A_251 = arith.cmpi slt, %sub3A_245, %lt3A_250 : vector<16xi32>
        %and3A_252 = arith.andi %ge3A_248, %lt3A_251 : vector<16xi1>
        %mul3A_253 = arith.constant 16 : i32
        %mul3A_254 = arith.muli %add3A_235, %mul3A_253 : i32
        %add3A_255 = arith.addi %min3A_103, %mul3A_254 : i32
        %add3A_256 = vector.broadcast %add3A_255 : i32 to vector<16xi32>
        %add3A_257 = arith.addi %add3A_256, %iota3A : vector<16xi32>
        %ge3A_258 = vector.broadcast %mul3A_100 : i32 to vector<16xi32>
        %ge3A_259 = arith.cmpi sge, %add3A_257, %ge3A_258 : vector<16xi32>
        %and3A_260 = arith.andi %and3A_252, %ge3A_259 : vector<16xi1>
        %jit3A_261 = arith.constant 0 : i32
        %broadcast_in_dim3A_262 = vector.broadcast %jit3A_261 : i32 to vector<16xi32>
        %select_n3A_263 = arith.select %and3A_260, %sub3A_245, %broadcast_in_dim3A_262 : vector<16xi1>, vector<16xi32>
        tpu.vector_store_idx %arg10[%select_n3A_263, %get3A_239], %broadcast_in_dim3A_10 masked %and3A_260 {add = true} : memref<64x128xf32, #tpu.memory_space<vmem>>[vector<16xi32>, vector<16xi32>], vector<16xf32>, vector<16xi1>
        %mul3A_264 = arith.constant 4 : i32
        %mul3A_265 = arith.muli %while3A_168, %mul3A_264 : i32
        %add3A_266 = arith.constant 3 : i32
        %add3A_267 = arith.addi %mul3A_265, %add3A_266 : i32
        %mul3A_268 = arith.constant 16 : i32
        %mul3A_269 = arith.muli %add3A_267, %mul3A_268 : i32
        %get3A_270 = arith.index_cast %mul3A_269 : i32 to index
        %get3A_271 = tpu.vector_load %arg7[%get3A_270] {strides = array<i32>} : memref<4096xi32, #tpu.memory_space<vmem>>, vector<16xi32>,
        %mul3A_272 = arith.constant 16 : i32
        %mul3A_273 = arith.muli %add3A_267, %mul3A_272 : i32
        %get3A_274 = arith.index_cast %mul3A_273 : i32 to index
        %get3A_275 = tpu.vector_load %arg9[%get3A_274] {strides = array<i32>} : memref<4096xi32, #tpu.memory_space<vmem>>, vector<16xi32>,
        %sub3A_276 = vector.broadcast %mul3A_12 : i32 to vector<16xi32>
        %sub3A_277 = arith.subi %get3A_275, %sub3A_276 : vector<16xi32>
        %ge3A_278 = arith.constant 0 : i32
        %ge3A_279 = vector.broadcast %ge3A_278 : i32 to vector<16xi32>
        %ge3A_280 = arith.cmpi sge, %sub3A_277, %ge3A_279 : vector<16xi32>
        %lt3A_281 = arith.constant 64 : i32
        %lt3A_282 = vector.broadcast %lt3A_281 : i32 to vector<16xi32>
        %lt3A_283 = arith.cmpi slt, %sub3A_277, %lt3A_282 : vector<16xi32>
        %and3A_284 = arith.andi %ge3A_280, %lt3A_283 : vector<16xi1>
        %mul3A_285 = arith.constant 16 : i32
        %mul3A_286 = arith.muli %add3A_267, %mul3A_285 : i32
        %add3A_287 = arith.addi %min3A_103, %mul3A_286 : i32
        %add3A_288 = vector.broadcast %add3A_287 : i32 to vector<16xi32>
        %add3A_289 = arith.addi %add3A_288, %iota3A : vector<16xi32>
        %ge3A_290 = vector.broadcast %mul3A_100 : i32 to vector<16xi32>
        %ge3A_291 = arith.cmpi sge, %add3A_289, %ge3A_290 : vector<16xi32>
        %and3A_292 = arith.andi %and3A_284, %ge3A_291 : vector<16xi1>
        %jit3A_293 = arith.constant 0 : i32
        %broadcast_in_dim3A_294 = vector.broadcast %jit3A_293 : i32 to vector<16xi32>
        %select_n3A_295 = arith.select %and3A_292, %sub3A_277, %broadcast_in_dim3A_294 : vector<16xi1>, vector<16xi32>
        tpu.vector_store_idx %arg10[%select_n3A_295, %get3A_271], %broadcast_in_dim3A_10 masked %and3A_292 {add = true} : memref<64x128xf32, #tpu.memory_space<vmem>>[vector<16xi32>, vector<16xi32>], vector<16xf32>, vector<16xi1>
      }
      %while3A_167 = arith.constant 1 : i32
      scf.for %while3A_168 = %while3A_165 to %while3A_161 step %while3A_167  : i32 {
        %mul3A_169 = arith.constant 4 : i32
        %mul3A_170 = arith.muli %while3A_168, %mul3A_169 : i32
        %add3A_171 = arith.constant 0 : i32
        %add3A_172 = arith.addi %mul3A_170, %add3A_171 : i32
        %mul3A_173 = arith.constant 16 : i32
        %mul3A_174 = arith.muli %add3A_172, %mul3A_173 : i32
        %get3A_175 = arith.index_cast %mul3A_174 : i32 to index
        %get3A_176 = tpu.vector_load %arg7[%get3A_175] {strides = array<i32>} : memref<4096xi32, #tpu.memory_space<vmem>>, vector<16xi32>,
        %mul3A_177 = arith.constant 16 : i32
        %mul3A_178 = arith.muli %add3A_172, %mul3A_177 : i32
        %get3A_179 = arith.index_cast %mul3A_178 : i32 to index
        %get3A_180 = tpu.vector_load %arg9[%get3A_179] {strides = array<i32>} : memref<4096xi32, #tpu.memory_space<vmem>>, vector<16xi32>,
        %sub3A_181 = vector.broadcast %mul3A_12 : i32 to vector<16xi32>
        %sub3A_182 = arith.subi %get3A_180, %sub3A_181 : vector<16xi32>
        %ge3A_183 = arith.constant 0 : i32
        %ge3A_184 = vector.broadcast %ge3A_183 : i32 to vector<16xi32>
        %ge3A_185 = arith.cmpi sge, %sub3A_182, %ge3A_184 : vector<16xi32>
        %lt3A = arith.constant 64 : i32
        %lt3A_186 = vector.broadcast %lt3A : i32 to vector<16xi32>
        %lt3A_187 = arith.cmpi slt, %sub3A_182, %lt3A_186 : vector<16xi32>
        %and3A_188 = arith.andi %ge3A_185, %lt3A_187 : vector<16xi1>
        %mul3A_189 = arith.constant 16 : i32
        %mul3A_190 = arith.muli %add3A_172, %mul3A_189 : i32
        %add3A_191 = arith.addi %min3A_103, %mul3A_190 : i32
        %add3A_192 = vector.broadcast %add3A_191 : i32 to vector<16xi32>
        %add3A_193 = arith.addi %add3A_192, %iota3A : vector<16xi32>
        %ge3A_194 = vector.broadcast %mul3A_100 : i32 to vector<16xi32>
        %ge3A_195 = arith.cmpi sge, %add3A_193, %ge3A_194 : vector<16xi32>
        %and3A_196 = arith.andi %and3A_188, %ge3A_195 : vector<16xi1>
        %jit3A_197 = arith.constant 0 : i32
        %broadcast_in_dim3A_198 = vector.broadcast %jit3A_197 : i32 to vector<16xi32>
        %select_n3A_199 = arith.select %and3A_196, %sub3A_182, %broadcast_in_dim3A_198 : vector<16xi1>, vector<16xi32>
        tpu.vector_store_idx %arg10[%select_n3A_199, %get3A_176], %broadcast_in_dim3A_10 masked %and3A_196 {add = true} : memref<64x128xf32, #tpu.memory_space<vmem>>[vector<16xi32>, vector<16xi32>], vector<16xf32>, vector<16xi1>
        %mul3A_200 = arith.constant 4 : i32
        %mul3A_201 = arith.muli %while3A_168, %mul3A_200 : i32
        %add3A_202 = arith.constant 1 : i32
        %add3A_203 = arith.addi %mul3A_201, %add3A_202 : i32
        %mul3A_204 = arith.constant 16 : i32
        %mul3A_205 = arith.muli %add3A_203, %mul3A_204 : i32
        %get3A_206 = arith.index_cast %mul3A_205 : i32 to index
        %get3A_207 = tpu.vector_load %arg7[%get3A_206] {strides = array<i32>} : memref<4096xi32, #tpu.memory_space<vmem>>, vector<16xi32>,
        %mul3A_208 = arith.constant 16 : i32
        %mul3A_209 = arith.muli %add3A_203, %mul3A_208 : i32
        %get3A_210 = arith.index_cast %mul3A_209 : i32 to index
        %get3A_211 = tpu.vector_load %arg9[%get3A_210] {strides = array<i32>} : memref<4096xi32, #tpu.memory_space<vmem>>, vector<16xi32>,
        %sub3A_212 = vector.broadcast %mul3A_12 : i32 to vector<16xi32>
        %sub3A_213 = arith.subi %get3A_211, %sub3A_212 : vector<16xi32>
        %ge3A_214 = arith.constant 0 : i32
        %ge3A_215 = vector.broadcast %ge3A_214 : i32 to vector<16xi32>
        %ge3A_216 = arith.cmpi sge, %sub3A_213, %ge3A_215 : vector<16xi32>
        %lt3A_217 = arith.constant 64 : i32
        %lt3A_218 = vector.broadcast %lt3A_217 : i32 to vector<16xi32>
        %lt3A_219 = arith.cmpi slt, %sub3A_213, %lt3A_218 : vector<16xi32>
        %and3A_220 = arith.andi %ge3A_216, %lt3A_219 : vector<16xi1>
        %mul3A_221 = arith.constant 16 : i32
        %mul3A_222 = arith.muli %add3A_203, %mul3A_221 : i32
        %add3A_223 = arith.addi %min3A_103, %mul3A_222 : i32
        %add3A_224 = vector.broadcast %add3A_223 : i32 to vector<16xi32>
        %add3A_225 = arith.addi %add3A_224, %iota3A : vector<16xi32>
        %ge3A_226 = vector.broadcast %mul3A_100 : i32 to vector<16xi32>
        %ge3A_227 = arith.cmpi sge, %add3A_225, %ge3A_226 : vector<16xi32>
        %and3A_228 = arith.andi %and3A_220, %ge3A_227 : vector<16xi1>
        %jit3A_229 = arith.constant 0 : i32
        %broadcast_in_dim3A_230 = vector.broadcast %jit3A_229 : i32 to vector<16xi32>
        %select_n3A_231 = arith.select %and3A_228, %sub3A_213, %broadcast_in_dim3A_230 : vector<16xi1>, vector<16xi32>
        tpu.vector_store_idx %arg10[%select_n3A_231, %get3A_207], %broadcast_in_dim3A_10 masked %and3A_228 {add = true} : memref<64x128xf32, #tpu.memory_space<vmem>>[vector<16xi32>, vector<16xi32>], vector<16xf32>, vector<16xi1>
        %mul3A_232 = arith.constant 4 : i32
        %mul3A_233 = arith.muli %while3A_168, %mul3A_232 : i32
        %add3A_234 = arith.constant 2 : i32
        %add3A_235 = arith.addi %mul3A_233, %add3A_234 : i32
        %mul3A_236 = arith.constant 16 : i32
        %mul3A_237 = arith.muli %add3A_235, %mul3A_236 : i32
        %get3A_238 = arith.index_cast %mul3A_237 : i32 to index
        %get3A_239 = tpu.vector_load %arg7[%get3A_238] {strides = array<i32>} : memref<4096xi32, #tpu.memory_space<vmem>>, vector<16xi32>,
        %mul3A_240 = arith.constant 16 : i32
        %mul3A_241 = arith.muli %add3A_235, %mul3A_240 : i32
        %get3A_242 = arith.index_cast %mul3A_241 : i32 to index
        %get3A_243 = tpu.vector_load %arg9[%get3A_242] {strides = array<i32>} : memref<4096xi32, #tpu.memory_space<vmem>>, vector<16xi32>,
        %sub3A_244 = vector.broadcast %mul3A_12 : i32 to vector<16xi32>
        %sub3A_245 = arith.subi %get3A_243, %sub3A_244 : vector<16xi32>
        %ge3A_246 = arith.constant 0 : i32
        %ge3A_247 = vector.broadcast %ge3A_246 : i32 to vector<16xi32>
        %ge3A_248 = arith.cmpi sge, %sub3A_245, %ge3A_247 : vector<16xi32>
        %lt3A_249 = arith.constant 64 : i32
        %lt3A_250 = vector.broadcast %lt3A_249 : i32 to vector<16xi32>
        %lt3A_251 = arith.cmpi slt, %sub3A_245, %lt3A_250 : vector<16xi32>
        %and3A_252 = arith.andi %ge3A_248, %lt3A_251 : vector<16xi1>
        %mul3A_253 = arith.constant 16 : i32
        %mul3A_254 = arith.muli %add3A_235, %mul3A_253 : i32
        %add3A_255 = arith.addi %min3A_103, %mul3A_254 : i32
        %add3A_256 = vector.broadcast %add3A_255 : i32 to vector<16xi32>
        %add3A_257 = arith.addi %add3A_256, %iota3A : vector<16xi32>
        %ge3A_258 = vector.broadcast %mul3A_100 : i32 to vector<16xi32>
        %ge3A_259 = arith.cmpi sge, %add3A_257, %ge3A_258 : vector<16xi32>
        %and3A_260 = arith.andi %and3A_252, %ge3A_259 : vector<16xi1>
        %jit3A_261 = arith.constant 0 : i32
        %broadcast_in_dim3A_262 = vector.broadcast %jit3A_261 : i32 to vector<16xi32>
        %select_n3A_263 = arith.select %and3A_260, %sub3A_245, %broadcast_in_dim3A_262 : vector<16xi1>, vector<16xi32>
        tpu.vector_store_idx %arg10[%select_n3A_263, %get3A_239], %broadcast_in_dim3A_10 masked %and3A_260 {add = true} : memref<64x128xf32, #tpu.memory_space<vmem>>[vector<16xi32>, vector<16xi32>], vector<16xf32>, vector<16xi1>
        %mul3A_264 = arith.constant 4 : i32
        %mul3A_265 = arith.muli %while3A_168, %mul3A_264 : i32
        %add3A_266 = arith.constant 3 : i32
        %add3A_267 = arith.addi %mul3A_265, %add3A_266 : i32
        %mul3A_268 = arith.constant 16 : i32
        %mul3A_269 = arith.muli %add3A_267, %mul3A_268 : i32
        %get3A_270 = arith.index_cast %mul3A_269 : i32 to index
        %get3A_271 = tpu.vector_load %arg7[%get3A_270] {strides = array<i32>} : memref<4096xi32, #tpu.memory_space<vmem>>, vector<16xi32>,
        %mul3A_272 = arith.constant 16 : i32
        %mul3A_273 = arith.muli %add3A_267, %mul3A_272 : i32
        %get3A_274 = arith.index_cast %mul3A_273 : i32 to index
        %get3A_275 = tpu.vector_load %arg9[%get3A_274] {strides = array<i32>} : memref<4096xi32, #tpu.memory_space<vmem>>, vector<16xi32>,
        %sub3A_276 = vector.broadcast %mul3A_12 : i32 to vector<16xi32>
        %sub3A_277 = arith.subi %get3A_275, %sub3A_276 : vector<16xi32>
        %ge3A_278 = arith.constant 0 : i32
        %ge3A_279 = vector.broadcast %ge3A_278 : i32 to vector<16xi32>
        %ge3A_280 = arith.cmpi sge, %sub3A_277, %ge3A_279 : vector<16xi32>
        %lt3A_281 = arith.constant 64 : i32
        %lt3A_282 = vector.broadcast %lt3A_281 : i32 to vector<16xi32>
        %lt3A_283 = arith.cmpi slt, %sub3A_277, %lt3A_282 : vector<16xi32>
        %and3A_284 = arith.andi %ge3A_280, %lt3A_283 : vector<16xi1>
        %mul3A_285 = arith.constant 16 : i32
        %mul3A_286 = arith.muli %add3A_267, %mul3A_285 : i32
        %add3A_287 = arith.addi %min3A_103, %mul3A_286 : i32
        %add3A_288 = vector.broadcast %add3A_287 : i32 to vector<16xi32>
        %add3A_289 = arith.addi %add3A_288, %iota3A : vector<16xi32>
        %ge3A_290 = vector.broadcast %mul3A_100 : i32 to vector<16xi32>
        %ge3A_291 = arith.cmpi sge, %add3A_289, %ge3A_290 : vector<16xi32>
        %and3A_292 = arith.andi %and3A_284, %ge3A_291 : vector<16xi1>
        %jit3A_293 = arith.constant 0 : i32
        %broadcast_in_dim3A_294 = vector.broadcast %jit3A_293 : i32 to vector<16xi32>
        %select_n3A_295 = arith.select %and3A_292, %sub3A_277, %broadcast_in_dim3A_294 : vector<16xi1>, vector<16xi32>
        tpu.vector_store_idx %arg10[%select_n3A_295, %get3A_271], %broadcast_in_dim3A_10 masked %and3A_292 {add = true} : memref<64x128xf32, #tpu.memory_space<vmem>>[vector<16xi32>, vector<16xi32>], vector<16xf32>, vector<16xi1>
      }
    } else {
    }
    %add3A_80 = arith.constant 2 : i32
    %add3A_81 = arith.addi %select_n3A, %add3A_80 : i32
    %while3A = arith.constant 0 : i32
    %while3A_82 = arith.subi %select_n3A_56, %add3A_81 : i32
    %while3A_83 = arith.addi %add3A_81, %while3A_82 : i32
    %while3A_84 = arith.constant 1 : i32
    %while3A_85 = arith.divsi %while3A_82, %while3A_84 : i32
    %while3A_86 = arith.muli %while3A_85, %while3A_84 : i32
    %while3A_87 = arith.addi %add3A_81, %while3A_86 : i32
    %while3A_88 = arith.constant 1 : i32
    scf.for %while3A_90 = %add3A_81 to %while3A_87 step %while3A_88  : i32 {
      %mul3A_91 = arith.constant 4096 : i32
      %mul3A_92 = arith.muli %while3A_90, %mul3A_91 : i32
      %min3A = arith.constant 95904 : i32
      %min3A_93 = arith.minsi %mul3A_92, %min3A : i32
      %dma_start3A = tpu.memref_slice %arg2[%min3A_93] : memref<100000xi32, #tpu.memory_space<hbm>> -> memref<4096xi32, #tpu.memory_space<hbm>>
      %dma_start3A_94 = tpu.memref_slice %arg2[%min3A_93] : memref<100000xi32, #tpu.memory_space<hbm>> -> memref<4096xi32, #tpu.memory_space<hbm>>
      tpu.enqueue_dma source(%dma_start3A_94 : memref<4096xi32, #tpu.memory_space<hbm>>) target(%arg6 : memref<4096xi32, #tpu.memory_space<vmem>>) target_semaphore(%arg12 : memref<!tpu.dma_semaphore, #tpu.memory_space<semaphore_mem>>)
      %dma_start3A_95 = tpu.memref_slice %arg3[%min3A_93] : memref<100000xi32, #tpu.memory_space<hbm>> -> memref<4096xi32, #tpu.memory_space<hbm>>
      %dma_start3A_96 = tpu.memref_slice %arg3[%min3A_93] : memref<100000xi32, #tpu.memory_space<hbm>> -> memref<4096xi32, #tpu.memory_space<hbm>>
      tpu.enqueue_dma source(%dma_start3A_96 : memref<4096xi32, #tpu.memory_space<hbm>>) target(%arg8 : memref<4096xi32, #tpu.memory_space<vmem>>) target_semaphore(%arg14 : memref<!tpu.dma_semaphore, #tpu.memory_space<semaphore_mem>>)
      %dma_wait3A = tpu.memref_slice %arg2[%min3A_93] : memref<100000xi32, #tpu.memory_space<hbm>> -> memref<4096xi32, #tpu.memory_space<hbm>>
      %dma_wait3A_97 = tpu.memref_slice %arg2[%min3A_93] : memref<100000xi32, #tpu.memory_space<hbm>> -> memref<4096xi32, #tpu.memory_space<hbm>>
      tpu.wait_dma2 semaphore(%arg12 : memref<!tpu.dma_semaphore, #tpu.memory_space<semaphore_mem>>) src(%dma_wait3A_97 : memref<4096xi32, #tpu.memory_space<hbm>>) dst(%arg6 : memref<4096xi32, #tpu.memory_space<vmem>>)
      %dma_wait3A_98 = tpu.memref_slice %arg3[%min3A_93] : memref<100000xi32, #tpu.memory_space<hbm>> -> memref<4096xi32, #tpu.memory_space<hbm>>
      %dma_wait3A_99 = tpu.memref_slice %arg3[%min3A_93] : memref<100000xi32, #tpu.memory_space<hbm>> -> memref<4096xi32, #tpu.memory_space<hbm>>
      tpu.wait_dma2 semaphore(%arg14 : memref<!tpu.dma_semaphore, #tpu.memory_space<semaphore_mem>>) src(%dma_wait3A_99 : memref<4096xi32, #tpu.memory_space<hbm>>) dst(%arg8 : memref<4096xi32, #tpu.memory_space<vmem>>)
      %mul3A_100 = arith.constant 4096 : i32
      %mul3A_101 = arith.muli %while3A_90, %mul3A_100 : i32
      %mul3A_102 = arith.constant 4096 : i32
      %mul3A_103 = arith.muli %while3A_90, %mul3A_102 : i32
      %min3A_104 = arith.constant 95904 : i32
      %min3A_105 = arith.minsi %mul3A_103, %min3A_104 : i32
      %max3A = arith.maxsi %squeeze3A, %mul3A_101 : i32
      %sub3A_106 = arith.subi %max3A, %min3A_105 : i32
      %jit3A_107 = arith.constant 64 : i32
      %div3A_108 = arith.divsi %sub3A_106, %jit3A_107 : i32
      %sign3A_109 = arith.constant 0 : i32
      %sign3A_110 = arith.cmpi sgt, %sub3A_106, %sign3A_109 : i32
      %sign3A_111 = arith.extui %sign3A_110 : i1 to i32
      %sign3A_112 = arith.constant 0 : i32
      %sign3A_113 = arith.cmpi slt, %sub3A_106, %sign3A_112 : i32
      %sign3A_114 = arith.extui %sign3A_113 : i1 to i32
      %sign3A_115 = arith.subi %sign3A_111, %sign3A_114 : i32
      %sign3A_116 = arith.constant 0 : i32
      %sign3A_117 = arith.cmpi sgt, %jit3A_107, %sign3A_116 : i32
      %sign3A_118 = arith.extui %sign3A_117 : i1 to i32
      %sign3A_119 = arith.constant 0 : i32
      %sign3A_120 = arith.cmpi slt, %jit3A_107, %sign3A_119 : i32
      %sign3A_121 = arith.extui %sign3A_120 : i1 to i32
      %sign3A_122 = arith.subi %sign3A_118, %sign3A_121 : i32
      %ne3A_123 = arith.cmpi ne, %sign3A_115, %sign3A_122 : i32
      %rem3A_124 = arith.remsi %sub3A_106, %jit3A_107 : i32
      %ne3A_125 = arith.constant 0 : i32
      %ne3A_126 = arith.cmpi ne, %rem3A_124, %ne3A_125 : i32
      %and3A_127 = arith.andi %ne3A_123, %ne3A_126 : i1
      %sub3A_128 = arith.constant 1 : i32
      %sub3A_129 = arith.subi %div3A_108, %sub3A_128 : i32
      %select_n3A_130 = arith.select %and3A_127, %sub3A_129, %div3A_108 : i32
      %add3A_131 = arith.constant 4096 : i32
      %add3A_132 = arith.addi %min3A_105, %add3A_131 : i32
      %min3A_133 = arith.minsi %squeeze3A_7, %add3A_132 : i32
      %sub3A_134 = arith.subi %min3A_133, %min3A_105 : i32
      %add3A_135 = arith.constant 63 : i32
      %add3A_136 = arith.addi %sub3A_134, %add3A_135 : i32
      %jit3A_137 = arith.constant 64 : i32
      %div3A_138 = arith.divsi %add3A_136, %jit3A_137 : i32
      %sign3A_139 = arith.constant 0 : i32
      %sign3A_140 = arith.cmpi sgt, %add3A_136, %sign3A_139 : i32
      %sign3A_141 = arith.extui %sign3A_140 : i1 to i32
      %sign3A_142 = arith.constant 0 : i32
      %sign3A_143 = arith.cmpi slt, %add3A_136, %sign3A_142 : i32
      %sign3A_144 = arith.extui %sign3A_143 : i1 to i32
      %sign3A_145 = arith.subi %sign3A_141, %sign3A_144 : i32
      %sign3A_146 = arith.constant 0 : i32
      %sign3A_147 = arith.cmpi sgt, %jit3A_137, %sign3A_146 : i32
      %sign3A_148 = arith.extui %sign3A_147 : i1 to i32
      %sign3A_149 = arith.constant 0 : i32
      %sign3A_150 = arith.cmpi slt, %jit3A_137, %sign3A_149 : i32
      %sign3A_151 = arith.extui %sign3A_150 : i1 to i32
      %sign3A_152 = arith.subi %sign3A_148, %sign3A_151 : i32
      %ne3A_153 = arith.cmpi ne, %sign3A_145, %sign3A_152 : i32
      %rem3A_154 = arith.remsi %add3A_136, %jit3A_137 : i32
      %ne3A_155 = arith.constant 0 : i32
      %ne3A_156 = arith.cmpi ne, %rem3A_154, %ne3A_155 : i32
      %and3A_157 = arith.andi %ne3A_153, %ne3A_156 : i1
      %sub3A_158 = arith.constant 1 : i32
      %sub3A_159 = arith.subi %div3A_138, %sub3A_158 : i32
      %select_n3A_160 = arith.select %and3A_157, %sub3A_159, %div3A_138 : i32
      %while3A_161 = arith.constant 0 : i32
      %while3A_162 = arith.subi %select_n3A_160, %select_n3A_130 : i32
      %while3A_163 = arith.addi %select_n3A_130, %while3A_162 : i32
      %while3A_164 = arith.constant 1 : i32
      %while3A_165 = arith.divsi %while3A_162, %while3A_164 : i32
      %while3A_166 = arith.muli %while3A_165, %while3A_164 : i32
      %while3A_167 = arith.addi %select_n3A_130, %while3A_166 : i32
      %while3A_168 = arith.constant 1 : i32
      scf.for %while3A_170 = %select_n3A_130 to %while3A_167 step %while3A_168  : i32 {
        %mul3A_171 = arith.constant 4 : i32
        %mul3A_172 = arith.muli %while3A_170, %mul3A_171 : i32
        %add3A_173 = arith.constant 0 : i32
        %add3A_174 = arith.addi %mul3A_172, %add3A_173 : i32
        %mul3A_175 = arith.constant 16 : i32
        %mul3A_176 = arith.muli %add3A_174, %mul3A_175 : i32
        %get3A_177 = arith.index_cast %mul3A_176 : i32 to index
        %get3A_178 = tpu.vector_load %arg6[%get3A_177] {strides = array<i32>} : memref<4096xi32, #tpu.memory_space<vmem>>, vector<16xi32>,
        %mul3A_179 = arith.constant 16 : i32
        %mul3A_180 = arith.muli %add3A_174, %mul3A_179 : i32
        %get3A_181 = arith.index_cast %mul3A_180 : i32 to index
        %get3A_182 = tpu.vector_load %arg8[%get3A_181] {strides = array<i32>} : memref<4096xi32, #tpu.memory_space<vmem>>, vector<16xi32>,
        %sub3A_183 = vector.broadcast %mul3A_12 : i32 to vector<16xi32>
        %sub3A_184 = arith.subi %get3A_182, %sub3A_183 : vector<16xi32>
        %ge3A_185 = arith.constant 0 : i32
        %ge3A_186 = vector.broadcast %ge3A_185 : i32 to vector<16xi32>
        %ge3A_187 = arith.cmpi sge, %sub3A_184, %ge3A_186 : vector<16xi32>
        %lt3A = arith.constant 64 : i32
        %lt3A_188 = vector.broadcast %lt3A : i32 to vector<16xi32>
        %lt3A_189 = arith.cmpi slt, %sub3A_184, %lt3A_188 : vector<16xi32>
        %and3A_190 = arith.andi %ge3A_187, %lt3A_189 : vector<16xi1>
        %mul3A_191 = arith.constant 16 : i32
        %mul3A_192 = arith.muli %add3A_174, %mul3A_191 : i32
        %add3A_193 = arith.addi %min3A_105, %mul3A_192 : i32
        %add3A_194 = vector.broadcast %add3A_193 : i32 to vector<16xi32>
        %add3A_195 = arith.addi %add3A_194, %iota3A : vector<16xi32>
        %ge3A_196 = vector.broadcast %mul3A_101 : i32 to vector<16xi32>
        %ge3A_197 = arith.cmpi sge, %add3A_195, %ge3A_196 : vector<16xi32>
        %and3A_198 = arith.andi %and3A_190, %ge3A_197 : vector<16xi1>
        %jit3A_199 = arith.constant 0 : i32
        %broadcast_in_dim3A_200 = vector.broadcast %jit3A_199 : i32 to vector<16xi32>
        %select_n3A_201 = arith.select %and3A_198, %sub3A_184, %broadcast_in_dim3A_200 : vector<16xi1>, vector<16xi32>
        tpu.vector_store_idx %arg10[%select_n3A_201, %get3A_178], %broadcast_in_dim3A_10 masked %and3A_198 {add = true} : memref<64x128xf32, #tpu.memory_space<vmem>>[vector<16xi32>, vector<16xi32>], vector<16xf32>, vector<16xi1>
        %mul3A_202 = arith.constant 4 : i32
        %mul3A_203 = arith.muli %while3A_170, %mul3A_202 : i32
        %add3A_204 = arith.constant 1 : i32
        %add3A_205 = arith.addi %mul3A_203, %add3A_204 : i32
        %mul3A_206 = arith.constant 16 : i32
        %mul3A_207 = arith.muli %add3A_205, %mul3A_206 : i32
        %get3A_208 = arith.index_cast %mul3A_207 : i32 to index
        %get3A_209 = tpu.vector_load %arg6[%get3A_208] {strides = array<i32>} : memref<4096xi32, #tpu.memory_space<vmem>>, vector<16xi32>,
        %mul3A_210 = arith.constant 16 : i32
        %mul3A_211 = arith.muli %add3A_205, %mul3A_210 : i32
        %get3A_212 = arith.index_cast %mul3A_211 : i32 to index
        %get3A_213 = tpu.vector_load %arg8[%get3A_212] {strides = array<i32>} : memref<4096xi32, #tpu.memory_space<vmem>>, vector<16xi32>,
        %sub3A_214 = vector.broadcast %mul3A_12 : i32 to vector<16xi32>
        %sub3A_215 = arith.subi %get3A_213, %sub3A_214 : vector<16xi32>
        %ge3A_216 = arith.constant 0 : i32
        %ge3A_217 = vector.broadcast %ge3A_216 : i32 to vector<16xi32>
        %ge3A_218 = arith.cmpi sge, %sub3A_215, %ge3A_217 : vector<16xi32>
        %lt3A_219 = arith.constant 64 : i32
        %lt3A_220 = vector.broadcast %lt3A_219 : i32 to vector<16xi32>
        %lt3A_221 = arith.cmpi slt, %sub3A_215, %lt3A_220 : vector<16xi32>
        %and3A_222 = arith.andi %ge3A_218, %lt3A_221 : vector<16xi1>
        %mul3A_223 = arith.constant 16 : i32
        %mul3A_224 = arith.muli %add3A_205, %mul3A_223 : i32
        %add3A_225 = arith.addi %min3A_105, %mul3A_224 : i32
        %add3A_226 = vector.broadcast %add3A_225 : i32 to vector<16xi32>
        %add3A_227 = arith.addi %add3A_226, %iota3A : vector<16xi32>
        %ge3A_228 = vector.broadcast %mul3A_101 : i32 to vector<16xi32>
        %ge3A_229 = arith.cmpi sge, %add3A_227, %ge3A_228 : vector<16xi32>
        %and3A_230 = arith.andi %and3A_222, %ge3A_229 : vector<16xi1>
        %jit3A_231 = arith.constant 0 : i32
        %broadcast_in_dim3A_232 = vector.broadcast %jit3A_231 : i32 to vector<16xi32>
        %select_n3A_233 = arith.select %and3A_230, %sub3A_215, %broadcast_in_dim3A_232 : vector<16xi1>, vector<16xi32>
        tpu.vector_store_idx %arg10[%select_n3A_233, %get3A_209], %broadcast_in_dim3A_10 masked %and3A_230 {add = true} : memref<64x128xf32, #tpu.memory_space<vmem>>[vector<16xi32>, vector<16xi32>], vector<16xf32>, vector<16xi1>
        %mul3A_234 = arith.constant 4 : i32
        %mul3A_235 = arith.muli %while3A_170, %mul3A_234 : i32
        %add3A_236 = arith.constant 2 : i32
        %add3A_237 = arith.addi %mul3A_235, %add3A_236 : i32
        %mul3A_238 = arith.constant 16 : i32
        %mul3A_239 = arith.muli %add3A_237, %mul3A_238 : i32
        %get3A_240 = arith.index_cast %mul3A_239 : i32 to index
        %get3A_241 = tpu.vector_load %arg6[%get3A_240] {strides = array<i32>} : memref<4096xi32, #tpu.memory_space<vmem>>, vector<16xi32>,
        %mul3A_242 = arith.constant 16 : i32
        %mul3A_243 = arith.muli %add3A_237, %mul3A_242 : i32
        %get3A_244 = arith.index_cast %mul3A_243 : i32 to index
        %get3A_245 = tpu.vector_load %arg8[%get3A_244] {strides = array<i32>} : memref<4096xi32, #tpu.memory_space<vmem>>, vector<16xi32>,
        %sub3A_246 = vector.broadcast %mul3A_12 : i32 to vector<16xi32>
        %sub3A_247 = arith.subi %get3A_245, %sub3A_246 : vector<16xi32>
        %ge3A_248 = arith.constant 0 : i32
        %ge3A_249 = vector.broadcast %ge3A_248 : i32 to vector<16xi32>
        %ge3A_250 = arith.cmpi sge, %sub3A_247, %ge3A_249 : vector<16xi32>
        %lt3A_251 = arith.constant 64 : i32
        %lt3A_252 = vector.broadcast %lt3A_251 : i32 to vector<16xi32>
        %lt3A_253 = arith.cmpi slt, %sub3A_247, %lt3A_252 : vector<16xi32>
        %and3A_254 = arith.andi %ge3A_250, %lt3A_253 : vector<16xi1>
        %mul3A_255 = arith.constant 16 : i32
        %mul3A_256 = arith.muli %add3A_237, %mul3A_255 : i32
        %add3A_257 = arith.addi %min3A_105, %mul3A_256 : i32
        %add3A_258 = vector.broadcast %add3A_257 : i32 to vector<16xi32>
        %add3A_259 = arith.addi %add3A_258, %iota3A : vector<16xi32>
        %ge3A_260 = vector.broadcast %mul3A_101 : i32 to vector<16xi32>
        %ge3A_261 = arith.cmpi sge, %add3A_259, %ge3A_260 : vector<16xi32>
        %and3A_262 = arith.andi %and3A_254, %ge3A_261 : vector<16xi1>
        %jit3A_263 = arith.constant 0 : i32
        %broadcast_in_dim3A_264 = vector.broadcast %jit3A_263 : i32 to vector<16xi32>
        %select_n3A_265 = arith.select %and3A_262, %sub3A_247, %broadcast_in_dim3A_264 : vector<16xi1>, vector<16xi32>
        tpu.vector_store_idx %arg10[%select_n3A_265, %get3A_241], %broadcast_in_dim3A_10 masked %and3A_262 {add = true} : memref<64x128xf32, #tpu.memory_space<vmem>>[vector<16xi32>, vector<16xi32>], vector<16xf32>, vector<16xi1>
        %mul3A_266 = arith.constant 4 : i32
        %mul3A_267 = arith.muli %while3A_170, %mul3A_266 : i32
        %add3A_268 = arith.constant 3 : i32
        %add3A_269 = arith.addi %mul3A_267, %add3A_268 : i32
        %mul3A_270 = arith.constant 16 : i32
        %mul3A_271 = arith.muli %add3A_269, %mul3A_270 : i32
        %get3A_272 = arith.index_cast %mul3A_271 : i32 to index
        %get3A_273 = tpu.vector_load %arg6[%get3A_272] {strides = array<i32>} : memref<4096xi32, #tpu.memory_space<vmem>>, vector<16xi32>,
        %mul3A_274 = arith.constant 16 : i32
        %mul3A_275 = arith.muli %add3A_269, %mul3A_274 : i32
        %get3A_276 = arith.index_cast %mul3A_275 : i32 to index
        %get3A_277 = tpu.vector_load %arg8[%get3A_276] {strides = array<i32>} : memref<4096xi32, #tpu.memory_space<vmem>>, vector<16xi32>,
        %sub3A_278 = vector.broadcast %mul3A_12 : i32 to vector<16xi32>
        %sub3A_279 = arith.subi %get3A_277, %sub3A_278 : vector<16xi32>
        %ge3A_280 = arith.constant 0 : i32
        %ge3A_281 = vector.broadcast %ge3A_280 : i32 to vector<16xi32>
        %ge3A_282 = arith.cmpi sge, %sub3A_279, %ge3A_281 : vector<16xi32>
        %lt3A_283 = arith.constant 64 : i32
        %lt3A_284 = vector.broadcast %lt3A_283 : i32 to vector<16xi32>
        %lt3A_285 = arith.cmpi slt, %sub3A_279, %lt3A_284 : vector<16xi32>
        %and3A_286 = arith.andi %ge3A_282, %lt3A_285 : vector<16xi1>
        %mul3A_287 = arith.constant 16 : i32
        %mul3A_288 = arith.muli %add3A_269, %mul3A_287 : i32
        %add3A_289 = arith.addi %min3A_105, %mul3A_288 : i32
        %add3A_290 = vector.broadcast %add3A_289 : i32 to vector<16xi32>
        %add3A_291 = arith.addi %add3A_290, %iota3A : vector<16xi32>
        %ge3A_292 = vector.broadcast %mul3A_101 : i32 to vector<16xi32>
        %ge3A_293 = arith.cmpi sge, %add3A_291, %ge3A_292 : vector<16xi32>
        %and3A_294 = arith.andi %and3A_286, %ge3A_293 : vector<16xi1>
        %jit3A_295 = arith.constant 0 : i32
        %broadcast_in_dim3A_296 = vector.broadcast %jit3A_295 : i32 to vector<16xi32>
        %select_n3A_297 = arith.select %and3A_294, %sub3A_279, %broadcast_in_dim3A_296 : vector<16xi1>, vector<16xi32>
        tpu.vector_store_idx %arg10[%select_n3A_297, %get3A_273], %broadcast_in_dim3A_10 masked %and3A_294 {add = true} : memref<64x128xf32, #tpu.memory_space<vmem>>[vector<16xi32>, vector<16xi32>], vector<16xf32>, vector<16xi1>
      }
      %while3A_169 = arith.constant 1 : i32
      scf.for %while3A_170 = %while3A_167 to %while3A_163 step %while3A_169  : i32 {
        %mul3A_171 = arith.constant 4 : i32
        %mul3A_172 = arith.muli %while3A_170, %mul3A_171 : i32
        %add3A_173 = arith.constant 0 : i32
        %add3A_174 = arith.addi %mul3A_172, %add3A_173 : i32
        %mul3A_175 = arith.constant 16 : i32
        %mul3A_176 = arith.muli %add3A_174, %mul3A_175 : i32
        %get3A_177 = arith.index_cast %mul3A_176 : i32 to index
        %get3A_178 = tpu.vector_load %arg6[%get3A_177] {strides = array<i32>} : memref<4096xi32, #tpu.memory_space<vmem>>, vector<16xi32>,
        %mul3A_179 = arith.constant 16 : i32
        %mul3A_180 = arith.muli %add3A_174, %mul3A_179 : i32
        %get3A_181 = arith.index_cast %mul3A_180 : i32 to index
        %get3A_182 = tpu.vector_load %arg8[%get3A_181] {strides = array<i32>} : memref<4096xi32, #tpu.memory_space<vmem>>, vector<16xi32>,
        %sub3A_183 = vector.broadcast %mul3A_12 : i32 to vector<16xi32>
        %sub3A_184 = arith.subi %get3A_182, %sub3A_183 : vector<16xi32>
        %ge3A_185 = arith.constant 0 : i32
        %ge3A_186 = vector.broadcast %ge3A_185 : i32 to vector<16xi32>
        %ge3A_187 = arith.cmpi sge, %sub3A_184, %ge3A_186 : vector<16xi32>
        %lt3A = arith.constant 64 : i32
        %lt3A_188 = vector.broadcast %lt3A : i32 to vector<16xi32>
        %lt3A_189 = arith.cmpi slt, %sub3A_184, %lt3A_188 : vector<16xi32>
        %and3A_190 = arith.andi %ge3A_187, %lt3A_189 : vector<16xi1>
        %mul3A_191 = arith.constant 16 : i32
        %mul3A_192 = arith.muli %add3A_174, %mul3A_191 : i32
        %add3A_193 = arith.addi %min3A_105, %mul3A_192 : i32
        %add3A_194 = vector.broadcast %add3A_193 : i32 to vector<16xi32>
        %add3A_195 = arith.addi %add3A_194, %iota3A : vector<16xi32>
        %ge3A_196 = vector.broadcast %mul3A_101 : i32 to vector<16xi32>
        %ge3A_197 = arith.cmpi sge, %add3A_195, %ge3A_196 : vector<16xi32>
        %and3A_198 = arith.andi %and3A_190, %ge3A_197 : vector<16xi1>
        %jit3A_199 = arith.constant 0 : i32
        %broadcast_in_dim3A_200 = vector.broadcast %jit3A_199 : i32 to vector<16xi32>
        %select_n3A_201 = arith.select %and3A_198, %sub3A_184, %broadcast_in_dim3A_200 : vector<16xi1>, vector<16xi32>
        tpu.vector_store_idx %arg10[%select_n3A_201, %get3A_178], %broadcast_in_dim3A_10 masked %and3A_198 {add = true} : memref<64x128xf32, #tpu.memory_space<vmem>>[vector<16xi32>, vector<16xi32>], vector<16xf32>, vector<16xi1>
        %mul3A_202 = arith.constant 4 : i32
        %mul3A_203 = arith.muli %while3A_170, %mul3A_202 : i32
        %add3A_204 = arith.constant 1 : i32
        %add3A_205 = arith.addi %mul3A_203, %add3A_204 : i32
        %mul3A_206 = arith.constant 16 : i32
        %mul3A_207 = arith.muli %add3A_205, %mul3A_206 : i32
        %get3A_208 = arith.index_cast %mul3A_207 : i32 to index
        %get3A_209 = tpu.vector_load %arg6[%get3A_208] {strides = array<i32>} : memref<4096xi32, #tpu.memory_space<vmem>>, vector<16xi32>,
        %mul3A_210 = arith.constant 16 : i32
        %mul3A_211 = arith.muli %add3A_205, %mul3A_210 : i32
        %get3A_212 = arith.index_cast %mul3A_211 : i32 to index
        %get3A_213 = tpu.vector_load %arg8[%get3A_212] {strides = array<i32>} : memref<4096xi32, #tpu.memory_space<vmem>>, vector<16xi32>,
        %sub3A_214 = vector.broadcast %mul3A_12 : i32 to vector<16xi32>
        %sub3A_215 = arith.subi %get3A_213, %sub3A_214 : vector<16xi32>
        %ge3A_216 = arith.constant 0 : i32
        %ge3A_217 = vector.broadcast %ge3A_216 : i32 to vector<16xi32>
        %ge3A_218 = arith.cmpi sge, %sub3A_215, %ge3A_217 : vector<16xi32>
        %lt3A_219 = arith.constant 64 : i32
        %lt3A_220 = vector.broadcast %lt3A_219 : i32 to vector<16xi32>
        %lt3A_221 = arith.cmpi slt, %sub3A_215, %lt3A_220 : vector<16xi32>
        %and3A_222 = arith.andi %ge3A_218, %lt3A_221 : vector<16xi1>
        %mul3A_223 = arith.constant 16 : i32
        %mul3A_224 = arith.muli %add3A_205, %mul3A_223 : i32
        %add3A_225 = arith.addi %min3A_105, %mul3A_224 : i32
        %add3A_226 = vector.broadcast %add3A_225 : i32 to vector<16xi32>
        %add3A_227 = arith.addi %add3A_226, %iota3A : vector<16xi32>
        %ge3A_228 = vector.broadcast %mul3A_101 : i32 to vector<16xi32>
        %ge3A_229 = arith.cmpi sge, %add3A_227, %ge3A_228 : vector<16xi32>
        %and3A_230 = arith.andi %and3A_222, %ge3A_229 : vector<16xi1>
        %jit3A_231 = arith.constant 0 : i32
        %broadcast_in_dim3A_232 = vector.broadcast %jit3A_231 : i32 to vector<16xi32>
        %select_n3A_233 = arith.select %and3A_230, %sub3A_215, %broadcast_in_dim3A_232 : vector<16xi1>, vector<16xi32>
        tpu.vector_store_idx %arg10[%select_n3A_233, %get3A_209], %broadcast_in_dim3A_10 masked %and3A_230 {add = true} : memref<64x128xf32, #tpu.memory_space<vmem>>[vector<16xi32>, vector<16xi32>], vector<16xf32>, vector<16xi1>
        %mul3A_234 = arith.constant 4 : i32
        %mul3A_235 = arith.muli %while3A_170, %mul3A_234 : i32
        %add3A_236 = arith.constant 2 : i32
        %add3A_237 = arith.addi %mul3A_235, %add3A_236 : i32
        %mul3A_238 = arith.constant 16 : i32
        %mul3A_239 = arith.muli %add3A_237, %mul3A_238 : i32
        %get3A_240 = arith.index_cast %mul3A_239 : i32 to index
        %get3A_241 = tpu.vector_load %arg6[%get3A_240] {strides = array<i32>} : memref<4096xi32, #tpu.memory_space<vmem>>, vector<16xi32>,
        %mul3A_242 = arith.constant 16 : i32
        %mul3A_243 = arith.muli %add3A_237, %mul3A_242 : i32
        %get3A_244 = arith.index_cast %mul3A_243 : i32 to index
        %get3A_245 = tpu.vector_load %arg8[%get3A_244] {strides = array<i32>} : memref<4096xi32, #tpu.memory_space<vmem>>, vector<16xi32>,
        %sub3A_246 = vector.broadcast %mul3A_12 : i32 to vector<16xi32>
        %sub3A_247 = arith.subi %get3A_245, %sub3A_246 : vector<16xi32>
        %ge3A_248 = arith.constant 0 : i32
        %ge3A_249 = vector.broadcast %ge3A_248 : i32 to vector<16xi32>
        %ge3A_250 = arith.cmpi sge, %sub3A_247, %ge3A_249 : vector<16xi32>
        %lt3A_251 = arith.constant 64 : i32
        %lt3A_252 = vector.broadcast %lt3A_251 : i32 to vector<16xi32>
        %lt3A_253 = arith.cmpi slt, %sub3A_247, %lt3A_252 : vector<16xi32>
        %and3A_254 = arith.andi %ge3A_250, %lt3A_253 : vector<16xi1>
        %mul3A_255 = arith.constant 16 : i32
        %mul3A_256 = arith.muli %add3A_237, %mul3A_255 : i32
        %add3A_257 = arith.addi %min3A_105, %mul3A_256 : i32
        %add3A_258 = vector.broadcast %add3A_257 : i32 to vector<16xi32>
        %add3A_259 = arith.addi %add3A_258, %iota3A : vector<16xi32>
        %ge3A_260 = vector.broadcast %mul3A_101 : i32 to vector<16xi32>
        %ge3A_261 = arith.cmpi sge, %add3A_259, %ge3A_260 : vector<16xi32>
        %and3A_262 = arith.andi %and3A_254, %ge3A_261 : vector<16xi1>
        %jit3A_263 = arith.constant 0 : i32
        %broadcast_in_dim3A_264 = vector.broadcast %jit3A_263 : i32 to vector<16xi32>
        %select_n3A_265 = arith.select %and3A_262, %sub3A_247, %broadcast_in_dim3A_264 : vector<16xi1>, vector<16xi32>
        tpu.vector_store_idx %arg10[%select_n3A_265, %get3A_241], %broadcast_in_dim3A_10 masked %and3A_262 {add = true} : memref<64x128xf32, #tpu.memory_space<vmem>>[vector<16xi32>, vector<16xi32>], vector<16xf32>, vector<16xi1>
        %mul3A_266 = arith.constant 4 : i32
        %mul3A_267 = arith.muli %while3A_170, %mul3A_266 : i32
        %add3A_268 = arith.constant 3 : i32
        %add3A_269 = arith.addi %mul3A_267, %add3A_268 : i32
        %mul3A_270 = arith.constant 16 : i32
        %mul3A_271 = arith.muli %add3A_269, %mul3A_270 : i32
        %get3A_272 = arith.index_cast %mul3A_271 : i32 to index
        %get3A_273 = tpu.vector_load %arg6[%get3A_272] {strides = array<i32>} : memref<4096xi32, #tpu.memory_space<vmem>>, vector<16xi32>,
        %mul3A_274 = arith.constant 16 : i32
        %mul3A_275 = arith.muli %add3A_269, %mul3A_274 : i32
        %get3A_276 = arith.index_cast %mul3A_275 : i32 to index
        %get3A_277 = tpu.vector_load %arg8[%get3A_276] {strides = array<i32>} : memref<4096xi32, #tpu.memory_space<vmem>>, vector<16xi32>,
        %sub3A_278 = vector.broadcast %mul3A_12 : i32 to vector<16xi32>
        %sub3A_279 = arith.subi %get3A_277, %sub3A_278 : vector<16xi32>
        %ge3A_280 = arith.constant 0 : i32
        %ge3A_281 = vector.broadcast %ge3A_280 : i32 to vector<16xi32>
        %ge3A_282 = arith.cmpi sge, %sub3A_279, %ge3A_281 : vector<16xi32>
        %lt3A_283 = arith.constant 64 : i32
        %lt3A_284 = vector.broadcast %lt3A_283 : i32 to vector<16xi32>
        %lt3A_285 = arith.cmpi slt, %sub3A_279, %lt3A_284 : vector<16xi32>
        %and3A_286 = arith.andi %ge3A_282, %lt3A_285 : vector<16xi1>
        %mul3A_287 = arith.constant 16 : i32
        %mul3A_288 = arith.muli %add3A_269, %mul3A_287 : i32
        %add3A_289 = arith.addi %min3A_105, %mul3A_288 : i32
        %add3A_290 = vector.broadcast %add3A_289 : i32 to vector<16xi32>
        %add3A_291 = arith.addi %add3A_290, %iota3A : vector<16xi32>
        %ge3A_292 = vector.broadcast %mul3A_101 : i32 to vector<16xi32>
        %ge3A_293 = arith.cmpi sge, %add3A_291, %ge3A_292 : vector<16xi32>
        %and3A_294 = arith.andi %and3A_286, %ge3A_293 : vector<16xi1>
        %jit3A_295 = arith.constant 0 : i32
        %broadcast_in_dim3A_296 = vector.broadcast %jit3A_295 : i32 to vector<16xi32>
        %select_n3A_297 = arith.select %and3A_294, %sub3A_279, %broadcast_in_dim3A_296 : vector<16xi1>, vector<16xi32>
        tpu.vector_store_idx %arg10[%select_n3A_297, %get3A_273], %broadcast_in_dim3A_10 masked %and3A_294 {add = true} : memref<64x128xf32, #tpu.memory_space<vmem>>[vector<16xi32>, vector<16xi32>], vector<16xf32>, vector<16xi1>
      }
    }
    %while3A_89 = arith.constant 1 : i32
    scf.for %while3A_90 = %while3A_87 to %while3A_83 step %while3A_89  : i32 {
      %mul3A_91 = arith.constant 4096 : i32
      %mul3A_92 = arith.muli %while3A_90, %mul3A_91 : i32
      %min3A = arith.constant 95904 : i32
      %min3A_93 = arith.minsi %mul3A_92, %min3A : i32
      %dma_start3A = tpu.memref_slice %arg2[%min3A_93] : memref<100000xi32, #tpu.memory_space<hbm>> -> memref<4096xi32, #tpu.memory_space<hbm>>
      %dma_start3A_94 = tpu.memref_slice %arg2[%min3A_93] : memref<100000xi32, #tpu.memory_space<hbm>> -> memref<4096xi32, #tpu.memory_space<hbm>>
      tpu.enqueue_dma source(%dma_start3A_94 : memref<4096xi32, #tpu.memory_space<hbm>>) target(%arg6 : memref<4096xi32, #tpu.memory_space<vmem>>) target_semaphore(%arg12 : memref<!tpu.dma_semaphore, #tpu.memory_space<semaphore_mem>>)
      %dma_start3A_95 = tpu.memref_slice %arg3[%min3A_93] : memref<100000xi32, #tpu.memory_space<hbm>> -> memref<4096xi32, #tpu.memory_space<hbm>>
      %dma_start3A_96 = tpu.memref_slice %arg3[%min3A_93] : memref<100000xi32, #tpu.memory_space<hbm>> -> memref<4096xi32, #tpu.memory_space<hbm>>
      tpu.enqueue_dma source(%dma_start3A_96 : memref<4096xi32, #tpu.memory_space<hbm>>) target(%arg8 : memref<4096xi32, #tpu.memory_space<vmem>>) target_semaphore(%arg14 : memref<!tpu.dma_semaphore, #tpu.memory_space<semaphore_mem>>)
      %dma_wait3A = tpu.memref_slice %arg2[%min3A_93] : memref<100000xi32, #tpu.memory_space<hbm>> -> memref<4096xi32, #tpu.memory_space<hbm>>
      %dma_wait3A_97 = tpu.memref_slice %arg2[%min3A_93] : memref<100000xi32, #tpu.memory_space<hbm>> -> memref<4096xi32, #tpu.memory_space<hbm>>
      tpu.wait_dma2 semaphore(%arg12 : memref<!tpu.dma_semaphore, #tpu.memory_space<semaphore_mem>>) src(%dma_wait3A_97 : memref<4096xi32, #tpu.memory_space<hbm>>) dst(%arg6 : memref<4096xi32, #tpu.memory_space<vmem>>)
      %dma_wait3A_98 = tpu.memref_slice %arg3[%min3A_93] : memref<100000xi32, #tpu.memory_space<hbm>> -> memref<4096xi32, #tpu.memory_space<hbm>>
      %dma_wait3A_99 = tpu.memref_slice %arg3[%min3A_93] : memref<100000xi32, #tpu.memory_space<hbm>> -> memref<4096xi32, #tpu.memory_space<hbm>>
      tpu.wait_dma2 semaphore(%arg14 : memref<!tpu.dma_semaphore, #tpu.memory_space<semaphore_mem>>) src(%dma_wait3A_99 : memref<4096xi32, #tpu.memory_space<hbm>>) dst(%arg8 : memref<4096xi32, #tpu.memory_space<vmem>>)
      %mul3A_100 = arith.constant 4096 : i32
      %mul3A_101 = arith.muli %while3A_90, %mul3A_100 : i32
      %mul3A_102 = arith.constant 4096 : i32
      %mul3A_103 = arith.muli %while3A_90, %mul3A_102 : i32
      %min3A_104 = arith.constant 95904 : i32
      %min3A_105 = arith.minsi %mul3A_103, %min3A_104 : i32
      %max3A = arith.maxsi %squeeze3A, %mul3A_101 : i32
      %sub3A_106 = arith.subi %max3A, %min3A_105 : i32
      %jit3A_107 = arith.constant 64 : i32
      %div3A_108 = arith.divsi %sub3A_106, %jit3A_107 : i32
      %sign3A_109 = arith.constant 0 : i32
      %sign3A_110 = arith.cmpi sgt, %sub3A_106, %sign3A_109 : i32
      %sign3A_111 = arith.extui %sign3A_110 : i1 to i32
      %sign3A_112 = arith.constant 0 : i32
      %sign3A_113 = arith.cmpi slt, %sub3A_106, %sign3A_112 : i32
      %sign3A_114 = arith.extui %sign3A_113 : i1 to i32
      %sign3A_115 = arith.subi %sign3A_111, %sign3A_114 : i32
      %sign3A_116 = arith.constant 0 : i32
      %sign3A_117 = arith.cmpi sgt, %jit3A_107, %sign3A_116 : i32
      %sign3A_118 = arith.extui %sign3A_117 : i1 to i32
      %sign3A_119 = arith.constant 0 : i32
      %sign3A_120 = arith.cmpi slt, %jit3A_107, %sign3A_119 : i32
      %sign3A_121 = arith.extui %sign3A_120 : i1 to i32
      %sign3A_122 = arith.subi %sign3A_118, %sign3A_121 : i32
      %ne3A_123 = arith.cmpi ne, %sign3A_115, %sign3A_122 : i32
      %rem3A_124 = arith.remsi %sub3A_106, %jit3A_107 : i32
      %ne3A_125 = arith.constant 0 : i32
      %ne3A_126 = arith.cmpi ne, %rem3A_124, %ne3A_125 : i32
      %and3A_127 = arith.andi %ne3A_123, %ne3A_126 : i1
      %sub3A_128 = arith.constant 1 : i32
      %sub3A_129 = arith.subi %div3A_108, %sub3A_128 : i32
      %select_n3A_130 = arith.select %and3A_127, %sub3A_129, %div3A_108 : i32
      %add3A_131 = arith.constant 4096 : i32
      %add3A_132 = arith.addi %min3A_105, %add3A_131 : i32
      %min3A_133 = arith.minsi %squeeze3A_7, %add3A_132 : i32
      %sub3A_134 = arith.subi %min3A_133, %min3A_105 : i32
      %add3A_135 = arith.constant 63 : i32
      %add3A_136 = arith.addi %sub3A_134, %add3A_135 : i32
      %jit3A_137 = arith.constant 64 : i32
      %div3A_138 = arith.divsi %add3A_136, %jit3A_137 : i32
      %sign3A_139 = arith.constant 0 : i32
      %sign3A_140 = arith.cmpi sgt, %add3A_136, %sign3A_139 : i32
      %sign3A_141 = arith.extui %sign3A_140 : i1 to i32
      %sign3A_142 = arith.constant 0 : i32
      %sign3A_143 = arith.cmpi slt, %add3A_136, %sign3A_142 : i32
      %sign3A_144 = arith.extui %sign3A_143 : i1 to i32
      %sign3A_145 = arith.subi %sign3A_141, %sign3A_144 : i32
      %sign3A_146 = arith.constant 0 : i32
      %sign3A_147 = arith.cmpi sgt, %jit3A_137, %sign3A_146 : i32
      %sign3A_148 = arith.extui %sign3A_147 : i1 to i32
      %sign3A_149 = arith.constant 0 : i32
      %sign3A_150 = arith.cmpi slt, %jit3A_137, %sign3A_149 : i32
      %sign3A_151 = arith.extui %sign3A_150 : i1 to i32
      %sign3A_152 = arith.subi %sign3A_148, %sign3A_151 : i32
      %ne3A_153 = arith.cmpi ne, %sign3A_145, %sign3A_152 : i32
      %rem3A_154 = arith.remsi %add3A_136, %jit3A_137 : i32
      %ne3A_155 = arith.constant 0 : i32
      %ne3A_156 = arith.cmpi ne, %rem3A_154, %ne3A_155 : i32
      %and3A_157 = arith.andi %ne3A_153, %ne3A_156 : i1
      %sub3A_158 = arith.constant 1 : i32
      %sub3A_159 = arith.subi %div3A_138, %sub3A_158 : i32
      %select_n3A_160 = arith.select %and3A_157, %sub3A_159, %div3A_138 : i32
      %while3A_161 = arith.constant 0 : i32
      %while3A_162 = arith.subi %select_n3A_160, %select_n3A_130 : i32
      %while3A_163 = arith.addi %select_n3A_130, %while3A_162 : i32
      %while3A_164 = arith.constant 1 : i32
      %while3A_165 = arith.divsi %while3A_162, %while3A_164 : i32
      %while3A_166 = arith.muli %while3A_165, %while3A_164 : i32
      %while3A_167 = arith.addi %select_n3A_130, %while3A_166 : i32
      %while3A_168 = arith.constant 1 : i32
      scf.for %while3A_170 = %select_n3A_130 to %while3A_167 step %while3A_168  : i32 {
        %mul3A_171 = arith.constant 4 : i32
        %mul3A_172 = arith.muli %while3A_170, %mul3A_171 : i32
        %add3A_173 = arith.constant 0 : i32
        %add3A_174 = arith.addi %mul3A_172, %add3A_173 : i32
        %mul3A_175 = arith.constant 16 : i32
        %mul3A_176 = arith.muli %add3A_174, %mul3A_175 : i32
        %get3A_177 = arith.index_cast %mul3A_176 : i32 to index
        %get3A_178 = tpu.vector_load %arg6[%get3A_177] {strides = array<i32>} : memref<4096xi32, #tpu.memory_space<vmem>>, vector<16xi32>,
        %mul3A_179 = arith.constant 16 : i32
        %mul3A_180 = arith.muli %add3A_174, %mul3A_179 : i32
        %get3A_181 = arith.index_cast %mul3A_180 : i32 to index
        %get3A_182 = tpu.vector_load %arg8[%get3A_181] {strides = array<i32>} : memref<4096xi32, #tpu.memory_space<vmem>>, vector<16xi32>,
        %sub3A_183 = vector.broadcast %mul3A_12 : i32 to vector<16xi32>
        %sub3A_184 = arith.subi %get3A_182, %sub3A_183 : vector<16xi32>
        %ge3A_185 = arith.constant 0 : i32
        %ge3A_186 = vector.broadcast %ge3A_185 : i32 to vector<16xi32>
        %ge3A_187 = arith.cmpi sge, %sub3A_184, %ge3A_186 : vector<16xi32>
        %lt3A = arith.constant 64 : i32
        %lt3A_188 = vector.broadcast %lt3A : i32 to vector<16xi32>
        %lt3A_189 = arith.cmpi slt, %sub3A_184, %lt3A_188 : vector<16xi32>
        %and3A_190 = arith.andi %ge3A_187, %lt3A_189 : vector<16xi1>
        %mul3A_191 = arith.constant 16 : i32
        %mul3A_192 = arith.muli %add3A_174, %mul3A_191 : i32
        %add3A_193 = arith.addi %min3A_105, %mul3A_192 : i32
        %add3A_194 = vector.broadcast %add3A_193 : i32 to vector<16xi32>
        %add3A_195 = arith.addi %add3A_194, %iota3A : vector<16xi32>
        %ge3A_196 = vector.broadcast %mul3A_101 : i32 to vector<16xi32>
        %ge3A_197 = arith.cmpi sge, %add3A_195, %ge3A_196 : vector<16xi32>
        %and3A_198 = arith.andi %and3A_190, %ge3A_197 : vector<16xi1>
        %jit3A_199 = arith.constant 0 : i32
        %broadcast_in_dim3A_200 = vector.broadcast %jit3A_199 : i32 to vector<16xi32>
        %select_n3A_201 = arith.select %and3A_198, %sub3A_184, %broadcast_in_dim3A_200 : vector<16xi1>, vector<16xi32>
        tpu.vector_store_idx %arg10[%select_n3A_201, %get3A_178], %broadcast_in_dim3A_10 masked %and3A_198 {add = true} : memref<64x128xf32, #tpu.memory_space<vmem>>[vector<16xi32>, vector<16xi32>], vector<16xf32>, vector<16xi1>
        %mul3A_202 = arith.constant 4 : i32
        %mul3A_203 = arith.muli %while3A_170, %mul3A_202 : i32
        %add3A_204 = arith.constant 1 : i32
        %add3A_205 = arith.addi %mul3A_203, %add3A_204 : i32
        %mul3A_206 = arith.constant 16 : i32
        %mul3A_207 = arith.muli %add3A_205, %mul3A_206 : i32
        %get3A_208 = arith.index_cast %mul3A_207 : i32 to index
        %get3A_209 = tpu.vector_load %arg6[%get3A_208] {strides = array<i32>} : memref<4096xi32, #tpu.memory_space<vmem>>, vector<16xi32>,
        %mul3A_210 = arith.constant 16 : i32
        %mul3A_211 = arith.muli %add3A_205, %mul3A_210 : i32
        %get3A_212 = arith.index_cast %mul3A_211 : i32 to index
        %get3A_213 = tpu.vector_load %arg8[%get3A_212] {strides = array<i32>} : memref<4096xi32, #tpu.memory_space<vmem>>, vector<16xi32>,
        %sub3A_214 = vector.broadcast %mul3A_12 : i32 to vector<16xi32>
        %sub3A_215 = arith.subi %get3A_213, %sub3A_214 : vector<16xi32>
        %ge3A_216 = arith.constant 0 : i32
        %ge3A_217 = vector.broadcast %ge3A_216 : i32 to vector<16xi32>
        %ge3A_218 = arith.cmpi sge, %sub3A_215, %ge3A_217 : vector<16xi32>
        %lt3A_219 = arith.constant 64 : i32
        %lt3A_220 = vector.broadcast %lt3A_219 : i32 to vector<16xi32>
        %lt3A_221 = arith.cmpi slt, %sub3A_215, %lt3A_220 : vector<16xi32>
        %and3A_222 = arith.andi %ge3A_218, %lt3A_221 : vector<16xi1>
        %mul3A_223 = arith.constant 16 : i32
        %mul3A_224 = arith.muli %add3A_205, %mul3A_223 : i32
        %add3A_225 = arith.addi %min3A_105, %mul3A_224 : i32
        %add3A_226 = vector.broadcast %add3A_225 : i32 to vector<16xi32>
        %add3A_227 = arith.addi %add3A_226, %iota3A : vector<16xi32>
        %ge3A_228 = vector.broadcast %mul3A_101 : i32 to vector<16xi32>
        %ge3A_229 = arith.cmpi sge, %add3A_227, %ge3A_228 : vector<16xi32>
        %and3A_230 = arith.andi %and3A_222, %ge3A_229 : vector<16xi1>
        %jit3A_231 = arith.constant 0 : i32
        %broadcast_in_dim3A_232 = vector.broadcast %jit3A_231 : i32 to vector<16xi32>
        %select_n3A_233 = arith.select %and3A_230, %sub3A_215, %broadcast_in_dim3A_232 : vector<16xi1>, vector<16xi32>
        tpu.vector_store_idx %arg10[%select_n3A_233, %get3A_209], %broadcast_in_dim3A_10 masked %and3A_230 {add = true} : memref<64x128xf32, #tpu.memory_space<vmem>>[vector<16xi32>, vector<16xi32>], vector<16xf32>, vector<16xi1>
        %mul3A_234 = arith.constant 4 : i32
        %mul3A_235 = arith.muli %while3A_170, %mul3A_234 : i32
        %add3A_236 = arith.constant 2 : i32
        %add3A_237 = arith.addi %mul3A_235, %add3A_236 : i32
        %mul3A_238 = arith.constant 16 : i32
        %mul3A_239 = arith.muli %add3A_237, %mul3A_238 : i32
        %get3A_240 = arith.index_cast %mul3A_239 : i32 to index
        %get3A_241 = tpu.vector_load %arg6[%get3A_240] {strides = array<i32>} : memref<4096xi32, #tpu.memory_space<vmem>>, vector<16xi32>,
        %mul3A_242 = arith.constant 16 : i32
        %mul3A_243 = arith.muli %add3A_237, %mul3A_242 : i32
        %get3A_244 = arith.index_cast %mul3A_243 : i32 to index
        %get3A_245 = tpu.vector_load %arg8[%get3A_244] {strides = array<i32>} : memref<4096xi32, #tpu.memory_space<vmem>>, vector<16xi32>,
        %sub3A_246 = vector.broadcast %mul3A_12 : i32 to vector<16xi32>
        %sub3A_247 = arith.subi %get3A_245, %sub3A_246 : vector<16xi32>
        %ge3A_248 = arith.constant 0 : i32
        %ge3A_249 = vector.broadcast %ge3A_248 : i32 to vector<16xi32>
        %ge3A_250 = arith.cmpi sge, %sub3A_247, %ge3A_249 : vector<16xi32>
        %lt3A_251 = arith.constant 64 : i32
        %lt3A_252 = vector.broadcast %lt3A_251 : i32 to vector<16xi32>
        %lt3A_253 = arith.cmpi slt, %sub3A_247, %lt3A_252 : vector<16xi32>
        %and3A_254 = arith.andi %ge3A_250, %lt3A_253 : vector<16xi1>
        %mul3A_255 = arith.constant 16 : i32
        %mul3A_256 = arith.muli %add3A_237, %mul3A_255 : i32
        %add3A_257 = arith.addi %min3A_105, %mul3A_256 : i32
        %add3A_258 = vector.broadcast %add3A_257 : i32 to vector<16xi32>
        %add3A_259 = arith.addi %add3A_258, %iota3A : vector<16xi32>
        %ge3A_260 = vector.broadcast %mul3A_101 : i32 to vector<16xi32>
        %ge3A_261 = arith.cmpi sge, %add3A_259, %ge3A_260 : vector<16xi32>
        %and3A_262 = arith.andi %and3A_254, %ge3A_261 : vector<16xi1>
        %jit3A_263 = arith.constant 0 : i32
        %broadcast_in_dim3A_264 = vector.broadcast %jit3A_263 : i32 to vector<16xi32>
        %select_n3A_265 = arith.select %and3A_262, %sub3A_247, %broadcast_in_dim3A_264 : vector<16xi1>, vector<16xi32>
        tpu.vector_store_idx %arg10[%select_n3A_265, %get3A_241], %broadcast_in_dim3A_10 masked %and3A_262 {add = true} : memref<64x128xf32, #tpu.memory_space<vmem>>[vector<16xi32>, vector<16xi32>], vector<16xf32>, vector<16xi1>
        %mul3A_266 = arith.constant 4 : i32
        %mul3A_267 = arith.muli %while3A_170, %mul3A_266 : i32
        %add3A_268 = arith.constant 3 : i32
        %add3A_269 = arith.addi %mul3A_267, %add3A_268 : i32
        %mul3A_270 = arith.constant 16 : i32
        %mul3A_271 = arith.muli %add3A_269, %mul3A_270 : i32
        %get3A_272 = arith.index_cast %mul3A_271 : i32 to index
        %get3A_273 = tpu.vector_load %arg6[%get3A_272] {strides = array<i32>} : memref<4096xi32, #tpu.memory_space<vmem>>, vector<16xi32>,
        %mul3A_274 = arith.constant 16 : i32
        %mul3A_275 = arith.muli %add3A_269, %mul3A_274 : i32
        %get3A_276 = arith.index_cast %mul3A_275 : i32 to index
        %get3A_277 = tpu.vector_load %arg8[%get3A_276] {strides = array<i32>} : memref<4096xi32, #tpu.memory_space<vmem>>, vector<16xi32>,
        %sub3A_278 = vector.broadcast %mul3A_12 : i32 to vector<16xi32>
        %sub3A_279 = arith.subi %get3A_277, %sub3A_278 : vector<16xi32>
        %ge3A_280 = arith.constant 0 : i32
        %ge3A_281 = vector.broadcast %ge3A_280 : i32 to vector<16xi32>
        %ge3A_282 = arith.cmpi sge, %sub3A_279, %ge3A_281 : vector<16xi32>
        %lt3A_283 = arith.constant 64 : i32
        %lt3A_284 = vector.broadcast %lt3A_283 : i32 to vector<16xi32>
        %lt3A_285 = arith.cmpi slt, %sub3A_279, %lt3A_284 : vector<16xi32>
        %and3A_286 = arith.andi %ge3A_282, %lt3A_285 : vector<16xi1>
        %mul3A_287 = arith.constant 16 : i32
        %mul3A_288 = arith.muli %add3A_269, %mul3A_287 : i32
        %add3A_289 = arith.addi %min3A_105, %mul3A_288 : i32
        %add3A_290 = vector.broadcast %add3A_289 : i32 to vector<16xi32>
        %add3A_291 = arith.addi %add3A_290, %iota3A : vector<16xi32>
        %ge3A_292 = vector.broadcast %mul3A_101 : i32 to vector<16xi32>
        %ge3A_293 = arith.cmpi sge, %add3A_291, %ge3A_292 : vector<16xi32>
        %and3A_294 = arith.andi %and3A_286, %ge3A_293 : vector<16xi1>
        %jit3A_295 = arith.constant 0 : i32
        %broadcast_in_dim3A_296 = vector.broadcast %jit3A_295 : i32 to vector<16xi32>
        %select_n3A_297 = arith.select %and3A_294, %sub3A_279, %broadcast_in_dim3A_296 : vector<16xi1>, vector<16xi32>
        tpu.vector_store_idx %arg10[%select_n3A_297, %get3A_273], %broadcast_in_dim3A_10 masked %and3A_294 {add = true} : memref<64x128xf32, #tpu.memory_space<vmem>>[vector<16xi32>, vector<16xi32>], vector<16xf32>, vector<16xi1>
      }
      %while3A_169 = arith.constant 1 : i32
      scf.for %while3A_170 = %while3A_167 to %while3A_163 step %while3A_169  : i32 {
        %mul3A_171 = arith.constant 4 : i32
        %mul3A_172 = arith.muli %while3A_170, %mul3A_171 : i32
        %add3A_173 = arith.constant 0 : i32
        %add3A_174 = arith.addi %mul3A_172, %add3A_173 : i32
        %mul3A_175 = arith.constant 16 : i32
        %mul3A_176 = arith.muli %add3A_174, %mul3A_175 : i32
        %get3A_177 = arith.index_cast %mul3A_176 : i32 to index
        %get3A_178 = tpu.vector_load %arg6[%get3A_177] {strides = array<i32>} : memref<4096xi32, #tpu.memory_space<vmem>>, vector<16xi32>,
        %mul3A_179 = arith.constant 16 : i32
        %mul3A_180 = arith.muli %add3A_174, %mul3A_179 : i32
        %get3A_181 = arith.index_cast %mul3A_180 : i32 to index
        %get3A_182 = tpu.vector_load %arg8[%get3A_181] {strides = array<i32>} : memref<4096xi32, #tpu.memory_space<vmem>>, vector<16xi32>,
        %sub3A_183 = vector.broadcast %mul3A_12 : i32 to vector<16xi32>
        %sub3A_184 = arith.subi %get3A_182, %sub3A_183 : vector<16xi32>
        %ge3A_185 = arith.constant 0 : i32
        %ge3A_186 = vector.broadcast %ge3A_185 : i32 to vector<16xi32>
        %ge3A_187 = arith.cmpi sge, %sub3A_184, %ge3A_186 : vector<16xi32>
        %lt3A = arith.constant 64 : i32
        %lt3A_188 = vector.broadcast %lt3A : i32 to vector<16xi32>
        %lt3A_189 = arith.cmpi slt, %sub3A_184, %lt3A_188 : vector<16xi32>
        %and3A_190 = arith.andi %ge3A_187, %lt3A_189 : vector<16xi1>
        %mul3A_191 = arith.constant 16 : i32
        %mul3A_192 = arith.muli %add3A_174, %mul3A_191 : i32
        %add3A_193 = arith.addi %min3A_105, %mul3A_192 : i32
        %add3A_194 = vector.broadcast %add3A_193 : i32 to vector<16xi32>
        %add3A_195 = arith.addi %add3A_194, %iota3A : vector<16xi32>
        %ge3A_196 = vector.broadcast %mul3A_101 : i32 to vector<16xi32>
        %ge3A_197 = arith.cmpi sge, %add3A_195, %ge3A_196 : vector<16xi32>
        %and3A_198 = arith.andi %and3A_190, %ge3A_197 : vector<16xi1>
        %jit3A_199 = arith.constant 0 : i32
        %broadcast_in_dim3A_200 = vector.broadcast %jit3A_199 : i32 to vector<16xi32>
        %select_n3A_201 = arith.select %and3A_198, %sub3A_184, %broadcast_in_dim3A_200 : vector<16xi1>, vector<16xi32>
        tpu.vector_store_idx %arg10[%select_n3A_201, %get3A_178], %broadcast_in_dim3A_10 masked %and3A_198 {add = true} : memref<64x128xf32, #tpu.memory_space<vmem>>[vector<16xi32>, vector<16xi32>], vector<16xf32>, vector<16xi1>
        %mul3A_202 = arith.constant 4 : i32
        %mul3A_203 = arith.muli %while3A_170, %mul3A_202 : i32
        %add3A_204 = arith.constant 1 : i32
        %add3A_205 = arith.addi %mul3A_203, %add3A_204 : i32
        %mul3A_206 = arith.constant 16 : i32
        %mul3A_207 = arith.muli %add3A_205, %mul3A_206 : i32
        %get3A_208 = arith.index_cast %mul3A_207 : i32 to index
        %get3A_209 = tpu.vector_load %arg6[%get3A_208] {strides = array<i32>} : memref<4096xi32, #tpu.memory_space<vmem>>, vector<16xi32>,
        %mul3A_210 = arith.constant 16 : i32
        %mul3A_211 = arith.muli %add3A_205, %mul3A_210 : i32
        %get3A_212 = arith.index_cast %mul3A_211 : i32 to index
        %get3A_213 = tpu.vector_load %arg8[%get3A_212] {strides = array<i32>} : memref<4096xi32, #tpu.memory_space<vmem>>, vector<16xi32>,
        %sub3A_214 = vector.broadcast %mul3A_12 : i32 to vector<16xi32>
        %sub3A_215 = arith.subi %get3A_213, %sub3A_214 : vector<16xi32>
        %ge3A_216 = arith.constant 0 : i32
        %ge3A_217 = vector.broadcast %ge3A_216 : i32 to vector<16xi32>
        %ge3A_218 = arith.cmpi sge, %sub3A_215, %ge3A_217 : vector<16xi32>
        %lt3A_219 = arith.constant 64 : i32
        %lt3A_220 = vector.broadcast %lt3A_219 : i32 to vector<16xi32>
        %lt3A_221 = arith.cmpi slt, %sub3A_215, %lt3A_220 : vector<16xi32>
        %and3A_222 = arith.andi %ge3A_218, %lt3A_221 : vector<16xi1>
        %mul3A_223 = arith.constant 16 : i32
        %mul3A_224 = arith.muli %add3A_205, %mul3A_223 : i32
        %add3A_225 = arith.addi %min3A_105, %mul3A_224 : i32
        %add3A_226 = vector.broadcast %add3A_225 : i32 to vector<16xi32>
        %add3A_227 = arith.addi %add3A_226, %iota3A : vector<16xi32>
        %ge3A_228 = vector.broadcast %mul3A_101 : i32 to vector<16xi32>
        %ge3A_229 = arith.cmpi sge, %add3A_227, %ge3A_228 : vector<16xi32>
        %and3A_230 = arith.andi %and3A_222, %ge3A_229 : vector<16xi1>
        %jit3A_231 = arith.constant 0 : i32
        %broadcast_in_dim3A_232 = vector.broadcast %jit3A_231 : i32 to vector<16xi32>
        %select_n3A_233 = arith.select %and3A_230, %sub3A_215, %broadcast_in_dim3A_232 : vector<16xi1>, vector<16xi32>
        tpu.vector_store_idx %arg10[%select_n3A_233, %get3A_209], %broadcast_in_dim3A_10 masked %and3A_230 {add = true} : memref<64x128xf32, #tpu.memory_space<vmem>>[vector<16xi32>, vector<16xi32>], vector<16xf32>, vector<16xi1>
        %mul3A_234 = arith.constant 4 : i32
        %mul3A_235 = arith.muli %while3A_170, %mul3A_234 : i32
        %add3A_236 = arith.constant 2 : i32
        %add3A_237 = arith.addi %mul3A_235, %add3A_236 : i32
        %mul3A_238 = arith.constant 16 : i32
        %mul3A_239 = arith.muli %add3A_237, %mul3A_238 : i32
        %get3A_240 = arith.index_cast %mul3A_239 : i32 to index
        %get3A_241 = tpu.vector_load %arg6[%get3A_240] {strides = array<i32>} : memref<4096xi32, #tpu.memory_space<vmem>>, vector<16xi32>,
        %mul3A_242 = arith.constant 16 : i32
        %mul3A_243 = arith.muli %add3A_237, %mul3A_242 : i32
        %get3A_244 = arith.index_cast %mul3A_243 : i32 to index
        %get3A_245 = tpu.vector_load %arg8[%get3A_244] {strides = array<i32>} : memref<4096xi32, #tpu.memory_space<vmem>>, vector<16xi32>,
        %sub3A_246 = vector.broadcast %mul3A_12 : i32 to vector<16xi32>
        %sub3A_247 = arith.subi %get3A_245, %sub3A_246 : vector<16xi32>
        %ge3A_248 = arith.constant 0 : i32
        %ge3A_249 = vector.broadcast %ge3A_248 : i32 to vector<16xi32>
        %ge3A_250 = arith.cmpi sge, %sub3A_247, %ge3A_249 : vector<16xi32>
        %lt3A_251 = arith.constant 64 : i32
        %lt3A_252 = vector.broadcast %lt3A_251 : i32 to vector<16xi32>
        %lt3A_253 = arith.cmpi slt, %sub3A_247, %lt3A_252 : vector<16xi32>
        %and3A_254 = arith.andi %ge3A_250, %lt3A_253 : vector<16xi1>
        %mul3A_255 = arith.constant 16 : i32
        %mul3A_256 = arith.muli %add3A_237, %mul3A_255 : i32
        %add3A_257 = arith.addi %min3A_105, %mul3A_256 : i32
        %add3A_258 = vector.broadcast %add3A_257 : i32 to vector<16xi32>
        %add3A_259 = arith.addi %add3A_258, %iota3A : vector<16xi32>
        %ge3A_260 = vector.broadcast %mul3A_101 : i32 to vector<16xi32>
        %ge3A_261 = arith.cmpi sge, %add3A_259, %ge3A_260 : vector<16xi32>
        %and3A_262 = arith.andi %and3A_254, %ge3A_261 : vector<16xi1>
        %jit3A_263 = arith.constant 0 : i32
        %broadcast_in_dim3A_264 = vector.broadcast %jit3A_263 : i32 to vector<16xi32>
        %select_n3A_265 = arith.select %and3A_262, %sub3A_247, %broadcast_in_dim3A_264 : vector<16xi1>, vector<16xi32>
        tpu.vector_store_idx %arg10[%select_n3A_265, %get3A_241], %broadcast_in_dim3A_10 masked %and3A_262 {add = true} : memref<64x128xf32, #tpu.memory_space<vmem>>[vector<16xi32>, vector<16xi32>], vector<16xf32>, vector<16xi1>
        %mul3A_266 = arith.constant 4 : i32
        %mul3A_267 = arith.muli %while3A_170, %mul3A_266 : i32
        %add3A_268 = arith.constant 3 : i32
        %add3A_269 = arith.addi %mul3A_267, %add3A_268 : i32
        %mul3A_270 = arith.constant 16 : i32
        %mul3A_271 = arith.muli %add3A_269, %mul3A_270 : i32
        %get3A_272 = arith.index_cast %mul3A_271 : i32 to index
        %get3A_273 = tpu.vector_load %arg6[%get3A_272] {strides = array<i32>} : memref<4096xi32, #tpu.memory_space<vmem>>, vector<16xi32>,
        %mul3A_274 = arith.constant 16 : i32
        %mul3A_275 = arith.muli %add3A_269, %mul3A_274 : i32
        %get3A_276 = arith.index_cast %mul3A_275 : i32 to index
        %get3A_277 = tpu.vector_load %arg8[%get3A_276] {strides = array<i32>} : memref<4096xi32, #tpu.memory_space<vmem>>, vector<16xi32>,
        %sub3A_278 = vector.broadcast %mul3A_12 : i32 to vector<16xi32>
        %sub3A_279 = arith.subi %get3A_277, %sub3A_278 : vector<16xi32>
        %ge3A_280 = arith.constant 0 : i32
        %ge3A_281 = vector.broadcast %ge3A_280 : i32 to vector<16xi32>
        %ge3A_282 = arith.cmpi sge, %sub3A_279, %ge3A_281 : vector<16xi32>
        %lt3A_283 = arith.constant 64 : i32
        %lt3A_284 = vector.broadcast %lt3A_283 : i32 to vector<16xi32>
        %lt3A_285 = arith.cmpi slt, %sub3A_279, %lt3A_284 : vector<16xi32>
        %and3A_286 = arith.andi %ge3A_282, %lt3A_285 : vector<16xi1>
        %mul3A_287 = arith.constant 16 : i32
        %mul3A_288 = arith.muli %add3A_269, %mul3A_287 : i32
        %add3A_289 = arith.addi %min3A_105, %mul3A_288 : i32
        %add3A_290 = vector.broadcast %add3A_289 : i32 to vector<16xi32>
        %add3A_291 = arith.addi %add3A_290, %iota3A : vector<16xi32>
        %ge3A_292 = vector.broadcast %mul3A_101 : i32 to vector<16xi32>
        %ge3A_293 = arith.cmpi sge, %add3A_291, %ge3A_292 : vector<16xi32>
        %and3A_294 = arith.andi %and3A_286, %ge3A_293 : vector<16xi1>
        %jit3A_295 = arith.constant 0 : i32
        %broadcast_in_dim3A_296 = vector.broadcast %jit3A_295 : i32 to vector<16xi32>
        %select_n3A_297 = arith.select %and3A_294, %sub3A_279, %broadcast_in_dim3A_296 : vector<16xi1>, vector<16xi32>
        tpu.vector_store_idx %arg10[%select_n3A_297, %get3A_273], %broadcast_in_dim3A_10 masked %and3A_294 {add = true} : memref<64x128xf32, #tpu.memory_space<vmem>>[vector<16xi32>, vector<16xi32>], vector<16xf32>, vector<16xi1>
      }
    }
    "tpu.region"() ({
      %run_scoped3A = tpu.sem_alloc : memref<!tpu.dma_semaphore, #tpu.memory_space<semaphore_mem>>
      %dma_start3A = arith.constant 0 : i32
      %dma_start3A_90 = tpu.memref_slice %arg5[%mul3A_12, %dma_start3A] : memref<2048x128xf32, #tpu.memory_space<hbm>> -> memref<64x128xf32, #tpu.memory_space<hbm>>
      %dma_start3A_91 = arith.constant 0 : i32
      %dma_start3A_92 = tpu.memref_slice %arg5[%mul3A_12, %dma_start3A_91] : memref<2048x128xf32, #tpu.memory_space<hbm>> -> memref<64x128xf32, #tpu.memory_space<hbm>>
      tpu.enqueue_dma source(%arg10 : memref<64x128xf32, #tpu.memory_space<vmem>>) target(%dma_start3A_92 : memref<64x128xf32, #tpu.memory_space<hbm>>) target_semaphore(%run_scoped3A : memref<!tpu.dma_semaphore, #tpu.memory_space<semaphore_mem>>)
      %dma_wait3A = arith.constant 0 : i32
      %dma_wait3A_93 = tpu.memref_slice %arg5[%mul3A_12, %dma_wait3A] : memref<2048x128xf32, #tpu.memory_space<hbm>> -> memref<64x128xf32, #tpu.memory_space<hbm>>
      %dma_wait3A_94 = arith.constant 0 : i32
      %dma_wait3A_95 = tpu.memref_slice %arg5[%mul3A_12, %dma_wait3A_94] : memref<2048x128xf32, #tpu.memory_space<hbm>> -> memref<64x128xf32, #tpu.memory_space<hbm>>
      tpu.wait_dma2 semaphore(%run_scoped3A : memref<!tpu.dma_semaphore, #tpu.memory_space<semaphore_mem>>) src(%arg10 : memref<64x128xf32, #tpu.memory_space<vmem>>) dst(%dma_wait3A_95 : memref<64x128xf32, #tpu.memory_space<hbm>>)
      tpu.yield
    }) : () -> ()
    return
  }
}

module attributes {stable_mosaic.version = 14 : i64} {
  func.func @_bounds_body(%arg0: memref<100x1000xi32, #tpu.memory_space<vmem>>, %arg1: memref<48xi32, #tpu.memory_space<smem>>) attributes {dimension_semantics = [], scalar_prefetch = 0 : i64, scratch_operands = 0 : i64, tpu.core_type = #tpu.core_type<tc>} {
    %get3A = arith.constant 0 : index
    %get3A_0 = arith.constant 0 : index
    %get3A_1 = vector.load %arg0[%get3A, %get3A_0] : memref<100x1000xi32, #tpu.memory_space<vmem>>, vector<100x1000xi32>
    %swap3A = arith.constant 0 : i32
    %swap3A_2 = arith.constant 0 : index
    %swap3A_3 = memref.load %arg1[%swap3A_2] : memref<48xi32, #tpu.memory_space<smem>>
    memref.store %swap3A, %arg1[%swap3A_2] : memref<48xi32, #tpu.memory_space<smem>>
    %lt3A = arith.constant 64 : i32
    %lt3A_4 = vector.broadcast %lt3A : i32 to vector<100x1000xi32>
    %lt3A_5 = arith.cmpi slt, %get3A_1, %lt3A_4 : vector<100x1000xi32>
    %convert_element_type3A = arith.extui %lt3A_5 : vector<100x1000xi1> to vector<100x1000xi32>
    %reduce_sum3A = vector.shape_cast %convert_element_type3A : vector<100x1000xi32> to vector<1x100x1000xi32>
    %reduce_sum3A_6 = arith.constant dense<0> : vector<1xi32>
    %reduce_sum3A_7 = vector.multi_reduction <add>, %reduce_sum3A, %reduce_sum3A_6 [1, 2] : vector<1x100x1000xi32> to vector<1xi32>
    %reduce_sum3A_8 = vector.shape_cast %reduce_sum3A_7 : vector<1xi32> to vector<1x1x1xi32>
    %reduce_sum3A_9 = vector.extract %reduce_sum3A_8[0, 0, 0] : i32 from vector<1x1x1xi32>
    %swap3A_10 = arith.constant 1 : index
    %swap3A_11 = memref.load %arg1[%swap3A_10] : memref<48xi32, #tpu.memory_space<smem>>
    memref.store %reduce_sum3A_9, %arg1[%swap3A_10] : memref<48xi32, #tpu.memory_space<smem>>
    %lt3A_12 = arith.constant 128 : i32
    %lt3A_13 = vector.broadcast %lt3A_12 : i32 to vector<100x1000xi32>
    %lt3A_14 = arith.cmpi slt, %get3A_1, %lt3A_13 : vector<100x1000xi32>
    %convert_element_type3A_15 = arith.extui %lt3A_14 : vector<100x1000xi1> to vector<100x1000xi32>
    %reduce_sum3A_16 = vector.shape_cast %convert_element_type3A_15 : vector<100x1000xi32> to vector<1x100x1000xi32>
    %reduce_sum3A_17 = arith.constant dense<0> : vector<1xi32>
    %reduce_sum3A_18 = vector.multi_reduction <add>, %reduce_sum3A_16, %reduce_sum3A_17 [1, 2] : vector<1x100x1000xi32> to vector<1xi32>
    %reduce_sum3A_19 = vector.shape_cast %reduce_sum3A_18 : vector<1xi32> to vector<1x1x1xi32>
    %reduce_sum3A_20 = vector.extract %reduce_sum3A_19[0, 0, 0] : i32 from vector<1x1x1xi32>
    %swap3A_21 = arith.constant 2 : index
    %swap3A_22 = memref.load %arg1[%swap3A_21] : memref<48xi32, #tpu.memory_space<smem>>
    memref.store %reduce_sum3A_20, %arg1[%swap3A_21] : memref<48xi32, #tpu.memory_space<smem>>
    %lt3A_23 = arith.constant 192 : i32
    %lt3A_24 = vector.broadcast %lt3A_23 : i32 to vector<100x1000xi32>
    %lt3A_25 = arith.cmpi slt, %get3A_1, %lt3A_24 : vector<100x1000xi32>
    %convert_element_type3A_26 = arith.extui %lt3A_25 : vector<100x1000xi1> to vector<100x1000xi32>
    %reduce_sum3A_27 = vector.shape_cast %convert_element_type3A_26 : vector<100x1000xi32> to vector<1x100x1000xi32>
    %reduce_sum3A_28 = arith.constant dense<0> : vector<1xi32>
    %reduce_sum3A_29 = vector.multi_reduction <add>, %reduce_sum3A_27, %reduce_sum3A_28 [1, 2] : vector<1x100x1000xi32> to vector<1xi32>
    %reduce_sum3A_30 = vector.shape_cast %reduce_sum3A_29 : vector<1xi32> to vector<1x1x1xi32>
    %reduce_sum3A_31 = vector.extract %reduce_sum3A_30[0, 0, 0] : i32 from vector<1x1x1xi32>
    %swap3A_32 = arith.constant 3 : index
    %swap3A_33 = memref.load %arg1[%swap3A_32] : memref<48xi32, #tpu.memory_space<smem>>
    memref.store %reduce_sum3A_31, %arg1[%swap3A_32] : memref<48xi32, #tpu.memory_space<smem>>
    %lt3A_34 = arith.constant 256 : i32
    %lt3A_35 = vector.broadcast %lt3A_34 : i32 to vector<100x1000xi32>
    %lt3A_36 = arith.cmpi slt, %get3A_1, %lt3A_35 : vector<100x1000xi32>
    %convert_element_type3A_37 = arith.extui %lt3A_36 : vector<100x1000xi1> to vector<100x1000xi32>
    %reduce_sum3A_38 = vector.shape_cast %convert_element_type3A_37 : vector<100x1000xi32> to vector<1x100x1000xi32>
    %reduce_sum3A_39 = arith.constant dense<0> : vector<1xi32>
    %reduce_sum3A_40 = vector.multi_reduction <add>, %reduce_sum3A_38, %reduce_sum3A_39 [1, 2] : vector<1x100x1000xi32> to vector<1xi32>
    %reduce_sum3A_41 = vector.shape_cast %reduce_sum3A_40 : vector<1xi32> to vector<1x1x1xi32>
    %reduce_sum3A_42 = vector.extract %reduce_sum3A_41[0, 0, 0] : i32 from vector<1x1x1xi32>
    %swap3A_43 = arith.constant 4 : index
    %swap3A_44 = memref.load %arg1[%swap3A_43] : memref<48xi32, #tpu.memory_space<smem>>
    memref.store %reduce_sum3A_42, %arg1[%swap3A_43] : memref<48xi32, #tpu.memory_space<smem>>
    %lt3A_45 = arith.constant 320 : i32
    %lt3A_46 = vector.broadcast %lt3A_45 : i32 to vector<100x1000xi32>
    %lt3A_47 = arith.cmpi slt, %get3A_1, %lt3A_46 : vector<100x1000xi32>
    %convert_element_type3A_48 = arith.extui %lt3A_47 : vector<100x1000xi1> to vector<100x1000xi32>
    %reduce_sum3A_49 = vector.shape_cast %convert_element_type3A_48 : vector<100x1000xi32> to vector<1x100x1000xi32>
    %reduce_sum3A_50 = arith.constant dense<0> : vector<1xi32>
    %reduce_sum3A_51 = vector.multi_reduction <add>, %reduce_sum3A_49, %reduce_sum3A_50 [1, 2] : vector<1x100x1000xi32> to vector<1xi32>
    %reduce_sum3A_52 = vector.shape_cast %reduce_sum3A_51 : vector<1xi32> to vector<1x1x1xi32>
    %reduce_sum3A_53 = vector.extract %reduce_sum3A_52[0, 0, 0] : i32 from vector<1x1x1xi32>
    %swap3A_54 = arith.constant 5 : index
    %swap3A_55 = memref.load %arg1[%swap3A_54] : memref<48xi32, #tpu.memory_space<smem>>
    memref.store %reduce_sum3A_53, %arg1[%swap3A_54] : memref<48xi32, #tpu.memory_space<smem>>
    %lt3A_56 = arith.constant 384 : i32
    %lt3A_57 = vector.broadcast %lt3A_56 : i32 to vector<100x1000xi32>
    %lt3A_58 = arith.cmpi slt, %get3A_1, %lt3A_57 : vector<100x1000xi32>
    %convert_element_type3A_59 = arith.extui %lt3A_58 : vector<100x1000xi1> to vector<100x1000xi32>
    %reduce_sum3A_60 = vector.shape_cast %convert_element_type3A_59 : vector<100x1000xi32> to vector<1x100x1000xi32>
    %reduce_sum3A_61 = arith.constant dense<0> : vector<1xi32>
    %reduce_sum3A_62 = vector.multi_reduction <add>, %reduce_sum3A_60, %reduce_sum3A_61 [1, 2] : vector<1x100x1000xi32> to vector<1xi32>
    %reduce_sum3A_63 = vector.shape_cast %reduce_sum3A_62 : vector<1xi32> to vector<1x1x1xi32>
    %reduce_sum3A_64 = vector.extract %reduce_sum3A_63[0, 0, 0] : i32 from vector<1x1x1xi32>
    %swap3A_65 = arith.constant 6 : index
    %swap3A_66 = memref.load %arg1[%swap3A_65] : memref<48xi32, #tpu.memory_space<smem>>
    memref.store %reduce_sum3A_64, %arg1[%swap3A_65] : memref<48xi32, #tpu.memory_space<smem>>
    %lt3A_67 = arith.constant 448 : i32
    %lt3A_68 = vector.broadcast %lt3A_67 : i32 to vector<100x1000xi32>
    %lt3A_69 = arith.cmpi slt, %get3A_1, %lt3A_68 : vector<100x1000xi32>
    %convert_element_type3A_70 = arith.extui %lt3A_69 : vector<100x1000xi1> to vector<100x1000xi32>
    %reduce_sum3A_71 = vector.shape_cast %convert_element_type3A_70 : vector<100x1000xi32> to vector<1x100x1000xi32>
    %reduce_sum3A_72 = arith.constant dense<0> : vector<1xi32>
    %reduce_sum3A_73 = vector.multi_reduction <add>, %reduce_sum3A_71, %reduce_sum3A_72 [1, 2] : vector<1x100x1000xi32> to vector<1xi32>
    %reduce_sum3A_74 = vector.shape_cast %reduce_sum3A_73 : vector<1xi32> to vector<1x1x1xi32>
    %reduce_sum3A_75 = vector.extract %reduce_sum3A_74[0, 0, 0] : i32 from vector<1x1x1xi32>
    %swap3A_76 = arith.constant 7 : index
    %swap3A_77 = memref.load %arg1[%swap3A_76] : memref<48xi32, #tpu.memory_space<smem>>
    memref.store %reduce_sum3A_75, %arg1[%swap3A_76] : memref<48xi32, #tpu.memory_space<smem>>
    %lt3A_78 = arith.constant 512 : i32
    %lt3A_79 = vector.broadcast %lt3A_78 : i32 to vector<100x1000xi32>
    %lt3A_80 = arith.cmpi slt, %get3A_1, %lt3A_79 : vector<100x1000xi32>
    %convert_element_type3A_81 = arith.extui %lt3A_80 : vector<100x1000xi1> to vector<100x1000xi32>
    %reduce_sum3A_82 = vector.shape_cast %convert_element_type3A_81 : vector<100x1000xi32> to vector<1x100x1000xi32>
    %reduce_sum3A_83 = arith.constant dense<0> : vector<1xi32>
    %reduce_sum3A_84 = vector.multi_reduction <add>, %reduce_sum3A_82, %reduce_sum3A_83 [1, 2] : vector<1x100x1000xi32> to vector<1xi32>
    %reduce_sum3A_85 = vector.shape_cast %reduce_sum3A_84 : vector<1xi32> to vector<1x1x1xi32>
    %reduce_sum3A_86 = vector.extract %reduce_sum3A_85[0, 0, 0] : i32 from vector<1x1x1xi32>
    %swap3A_87 = arith.constant 8 : index
    %swap3A_88 = memref.load %arg1[%swap3A_87] : memref<48xi32, #tpu.memory_space<smem>>
    memref.store %reduce_sum3A_86, %arg1[%swap3A_87] : memref<48xi32, #tpu.memory_space<smem>>
    %lt3A_89 = arith.constant 576 : i32
    %lt3A_90 = vector.broadcast %lt3A_89 : i32 to vector<100x1000xi32>
    %lt3A_91 = arith.cmpi slt, %get3A_1, %lt3A_90 : vector<100x1000xi32>
    %convert_element_type3A_92 = arith.extui %lt3A_91 : vector<100x1000xi1> to vector<100x1000xi32>
    %reduce_sum3A_93 = vector.shape_cast %convert_element_type3A_92 : vector<100x1000xi32> to vector<1x100x1000xi32>
    %reduce_sum3A_94 = arith.constant dense<0> : vector<1xi32>
    %reduce_sum3A_95 = vector.multi_reduction <add>, %reduce_sum3A_93, %reduce_sum3A_94 [1, 2] : vector<1x100x1000xi32> to vector<1xi32>
    %reduce_sum3A_96 = vector.shape_cast %reduce_sum3A_95 : vector<1xi32> to vector<1x1x1xi32>
    %reduce_sum3A_97 = vector.extract %reduce_sum3A_96[0, 0, 0] : i32 from vector<1x1x1xi32>
    %swap3A_98 = arith.constant 9 : index
    %swap3A_99 = memref.load %arg1[%swap3A_98] : memref<48xi32, #tpu.memory_space<smem>>
    memref.store %reduce_sum3A_97, %arg1[%swap3A_98] : memref<48xi32, #tpu.memory_space<smem>>
    %lt3A_100 = arith.constant 640 : i32
    %lt3A_101 = vector.broadcast %lt3A_100 : i32 to vector<100x1000xi32>
    %lt3A_102 = arith.cmpi slt, %get3A_1, %lt3A_101 : vector<100x1000xi32>
    %convert_element_type3A_103 = arith.extui %lt3A_102 : vector<100x1000xi1> to vector<100x1000xi32>
    %reduce_sum3A_104 = vector.shape_cast %convert_element_type3A_103 : vector<100x1000xi32> to vector<1x100x1000xi32>
    %reduce_sum3A_105 = arith.constant dense<0> : vector<1xi32>
    %reduce_sum3A_106 = vector.multi_reduction <add>, %reduce_sum3A_104, %reduce_sum3A_105 [1, 2] : vector<1x100x1000xi32> to vector<1xi32>
    %reduce_sum3A_107 = vector.shape_cast %reduce_sum3A_106 : vector<1xi32> to vector<1x1x1xi32>
    %reduce_sum3A_108 = vector.extract %reduce_sum3A_107[0, 0, 0] : i32 from vector<1x1x1xi32>
    %swap3A_109 = arith.constant 10 : index
    %swap3A_110 = memref.load %arg1[%swap3A_109] : memref<48xi32, #tpu.memory_space<smem>>
    memref.store %reduce_sum3A_108, %arg1[%swap3A_109] : memref<48xi32, #tpu.memory_space<smem>>
    %lt3A_111 = arith.constant 704 : i32
    %lt3A_112 = vector.broadcast %lt3A_111 : i32 to vector<100x1000xi32>
    %lt3A_113 = arith.cmpi slt, %get3A_1, %lt3A_112 : vector<100x1000xi32>
    %convert_element_type3A_114 = arith.extui %lt3A_113 : vector<100x1000xi1> to vector<100x1000xi32>
    %reduce_sum3A_115 = vector.shape_cast %convert_element_type3A_114 : vector<100x1000xi32> to vector<1x100x1000xi32>
    %reduce_sum3A_116 = arith.constant dense<0> : vector<1xi32>
    %reduce_sum3A_117 = vector.multi_reduction <add>, %reduce_sum3A_115, %reduce_sum3A_116 [1, 2] : vector<1x100x1000xi32> to vector<1xi32>
    %reduce_sum3A_118 = vector.shape_cast %reduce_sum3A_117 : vector<1xi32> to vector<1x1x1xi32>
    %reduce_sum3A_119 = vector.extract %reduce_sum3A_118[0, 0, 0] : i32 from vector<1x1x1xi32>
    %swap3A_120 = arith.constant 11 : index
    %swap3A_121 = memref.load %arg1[%swap3A_120] : memref<48xi32, #tpu.memory_space<smem>>
    memref.store %reduce_sum3A_119, %arg1[%swap3A_120] : memref<48xi32, #tpu.memory_space<smem>>
    %lt3A_122 = arith.constant 768 : i32
    %lt3A_123 = vector.broadcast %lt3A_122 : i32 to vector<100x1000xi32>
    %lt3A_124 = arith.cmpi slt, %get3A_1, %lt3A_123 : vector<100x1000xi32>
    %convert_element_type3A_125 = arith.extui %lt3A_124 : vector<100x1000xi1> to vector<100x1000xi32>
    %reduce_sum3A_126 = vector.shape_cast %convert_element_type3A_125 : vector<100x1000xi32> to vector<1x100x1000xi32>
    %reduce_sum3A_127 = arith.constant dense<0> : vector<1xi32>
    %reduce_sum3A_128 = vector.multi_reduction <add>, %reduce_sum3A_126, %reduce_sum3A_127 [1, 2] : vector<1x100x1000xi32> to vector<1xi32>
    %reduce_sum3A_129 = vector.shape_cast %reduce_sum3A_128 : vector<1xi32> to vector<1x1x1xi32>
    %reduce_sum3A_130 = vector.extract %reduce_sum3A_129[0, 0, 0] : i32 from vector<1x1x1xi32>
    %swap3A_131 = arith.constant 12 : index
    %swap3A_132 = memref.load %arg1[%swap3A_131] : memref<48xi32, #tpu.memory_space<smem>>
    memref.store %reduce_sum3A_130, %arg1[%swap3A_131] : memref<48xi32, #tpu.memory_space<smem>>
    %lt3A_133 = arith.constant 832 : i32
    %lt3A_134 = vector.broadcast %lt3A_133 : i32 to vector<100x1000xi32>
    %lt3A_135 = arith.cmpi slt, %get3A_1, %lt3A_134 : vector<100x1000xi32>
    %convert_element_type3A_136 = arith.extui %lt3A_135 : vector<100x1000xi1> to vector<100x1000xi32>
    %reduce_sum3A_137 = vector.shape_cast %convert_element_type3A_136 : vector<100x1000xi32> to vector<1x100x1000xi32>
    %reduce_sum3A_138 = arith.constant dense<0> : vector<1xi32>
    %reduce_sum3A_139 = vector.multi_reduction <add>, %reduce_sum3A_137, %reduce_sum3A_138 [1, 2] : vector<1x100x1000xi32> to vector<1xi32>
    %reduce_sum3A_140 = vector.shape_cast %reduce_sum3A_139 : vector<1xi32> to vector<1x1x1xi32>
    %reduce_sum3A_141 = vector.extract %reduce_sum3A_140[0, 0, 0] : i32 from vector<1x1x1xi32>
    %swap3A_142 = arith.constant 13 : index
    %swap3A_143 = memref.load %arg1[%swap3A_142] : memref<48xi32, #tpu.memory_space<smem>>
    memref.store %reduce_sum3A_141, %arg1[%swap3A_142] : memref<48xi32, #tpu.memory_space<smem>>
    %lt3A_144 = arith.constant 896 : i32
    %lt3A_145 = vector.broadcast %lt3A_144 : i32 to vector<100x1000xi32>
    %lt3A_146 = arith.cmpi slt, %get3A_1, %lt3A_145 : vector<100x1000xi32>
    %convert_element_type3A_147 = arith.extui %lt3A_146 : vector<100x1000xi1> to vector<100x1000xi32>
    %reduce_sum3A_148 = vector.shape_cast %convert_element_type3A_147 : vector<100x1000xi32> to vector<1x100x1000xi32>
    %reduce_sum3A_149 = arith.constant dense<0> : vector<1xi32>
    %reduce_sum3A_150 = vector.multi_reduction <add>, %reduce_sum3A_148, %reduce_sum3A_149 [1, 2] : vector<1x100x1000xi32> to vector<1xi32>
    %reduce_sum3A_151 = vector.shape_cast %reduce_sum3A_150 : vector<1xi32> to vector<1x1x1xi32>
    %reduce_sum3A_152 = vector.extract %reduce_sum3A_151[0, 0, 0] : i32 from vector<1x1x1xi32>
    %swap3A_153 = arith.constant 14 : index
    %swap3A_154 = memref.load %arg1[%swap3A_153] : memref<48xi32, #tpu.memory_space<smem>>
    memref.store %reduce_sum3A_152, %arg1[%swap3A_153] : memref<48xi32, #tpu.memory_space<smem>>
    %lt3A_155 = arith.constant 960 : i32
    %lt3A_156 = vector.broadcast %lt3A_155 : i32 to vector<100x1000xi32>
    %lt3A_157 = arith.cmpi slt, %get3A_1, %lt3A_156 : vector<100x1000xi32>
    %convert_element_type3A_158 = arith.extui %lt3A_157 : vector<100x1000xi1> to vector<100x1000xi32>
    %reduce_sum3A_159 = vector.shape_cast %convert_element_type3A_158 : vector<100x1000xi32> to vector<1x100x1000xi32>
    %reduce_sum3A_160 = arith.constant dense<0> : vector<1xi32>
    %reduce_sum3A_161 = vector.multi_reduction <add>, %reduce_sum3A_159, %reduce_sum3A_160 [1, 2] : vector<1x100x1000xi32> to vector<1xi32>
    %reduce_sum3A_162 = vector.shape_cast %reduce_sum3A_161 : vector<1xi32> to vector<1x1x1xi32>
    %reduce_sum3A_163 = vector.extract %reduce_sum3A_162[0, 0, 0] : i32 from vector<1x1x1xi32>
    %swap3A_164 = arith.constant 15 : index
    %swap3A_165 = memref.load %arg1[%swap3A_164] : memref<48xi32, #tpu.memory_space<smem>>
    memref.store %reduce_sum3A_163, %arg1[%swap3A_164] : memref<48xi32, #tpu.memory_space<smem>>
    %lt3A_166 = arith.constant 1024 : i32
    %lt3A_167 = vector.broadcast %lt3A_166 : i32 to vector<100x1000xi32>
    %lt3A_168 = arith.cmpi slt, %get3A_1, %lt3A_167 : vector<100x1000xi32>
    %convert_element_type3A_169 = arith.extui %lt3A_168 : vector<100x1000xi1> to vector<100x1000xi32>
    %reduce_sum3A_170 = vector.shape_cast %convert_element_type3A_169 : vector<100x1000xi32> to vector<1x100x1000xi32>
    %reduce_sum3A_171 = arith.constant dense<0> : vector<1xi32>
    %reduce_sum3A_172 = vector.multi_reduction <add>, %reduce_sum3A_170, %reduce_sum3A_171 [1, 2] : vector<1x100x1000xi32> to vector<1xi32>
    %reduce_sum3A_173 = vector.shape_cast %reduce_sum3A_172 : vector<1xi32> to vector<1x1x1xi32>
    %reduce_sum3A_174 = vector.extract %reduce_sum3A_173[0, 0, 0] : i32 from vector<1x1x1xi32>
    %swap3A_175 = arith.constant 16 : index
    %swap3A_176 = memref.load %arg1[%swap3A_175] : memref<48xi32, #tpu.memory_space<smem>>
    memref.store %reduce_sum3A_174, %arg1[%swap3A_175] : memref<48xi32, #tpu.memory_space<smem>>
    %lt3A_177 = arith.constant 1088 : i32
    %lt3A_178 = vector.broadcast %lt3A_177 : i32 to vector<100x1000xi32>
    %lt3A_179 = arith.cmpi slt, %get3A_1, %lt3A_178 : vector<100x1000xi32>
    %convert_element_type3A_180 = arith.extui %lt3A_179 : vector<100x1000xi1> to vector<100x1000xi32>
    %reduce_sum3A_181 = vector.shape_cast %convert_element_type3A_180 : vector<100x1000xi32> to vector<1x100x1000xi32>
    %reduce_sum3A_182 = arith.constant dense<0> : vector<1xi32>
    %reduce_sum3A_183 = vector.multi_reduction <add>, %reduce_sum3A_181, %reduce_sum3A_182 [1, 2] : vector<1x100x1000xi32> to vector<1xi32>
    %reduce_sum3A_184 = vector.shape_cast %reduce_sum3A_183 : vector<1xi32> to vector<1x1x1xi32>
    %reduce_sum3A_185 = vector.extract %reduce_sum3A_184[0, 0, 0] : i32 from vector<1x1x1xi32>
    %swap3A_186 = arith.constant 17 : index
    %swap3A_187 = memref.load %arg1[%swap3A_186] : memref<48xi32, #tpu.memory_space<smem>>
    memref.store %reduce_sum3A_185, %arg1[%swap3A_186] : memref<48xi32, #tpu.memory_space<smem>>
    %lt3A_188 = arith.constant 1152 : i32
    %lt3A_189 = vector.broadcast %lt3A_188 : i32 to vector<100x1000xi32>
    %lt3A_190 = arith.cmpi slt, %get3A_1, %lt3A_189 : vector<100x1000xi32>
    %convert_element_type3A_191 = arith.extui %lt3A_190 : vector<100x1000xi1> to vector<100x1000xi32>
    %reduce_sum3A_192 = vector.shape_cast %convert_element_type3A_191 : vector<100x1000xi32> to vector<1x100x1000xi32>
    %reduce_sum3A_193 = arith.constant dense<0> : vector<1xi32>
    %reduce_sum3A_194 = vector.multi_reduction <add>, %reduce_sum3A_192, %reduce_sum3A_193 [1, 2] : vector<1x100x1000xi32> to vector<1xi32>
    %reduce_sum3A_195 = vector.shape_cast %reduce_sum3A_194 : vector<1xi32> to vector<1x1x1xi32>
    %reduce_sum3A_196 = vector.extract %reduce_sum3A_195[0, 0, 0] : i32 from vector<1x1x1xi32>
    %swap3A_197 = arith.constant 18 : index
    %swap3A_198 = memref.load %arg1[%swap3A_197] : memref<48xi32, #tpu.memory_space<smem>>
    memref.store %reduce_sum3A_196, %arg1[%swap3A_197] : memref<48xi32, #tpu.memory_space<smem>>
    %lt3A_199 = arith.constant 1216 : i32
    %lt3A_200 = vector.broadcast %lt3A_199 : i32 to vector<100x1000xi32>
    %lt3A_201 = arith.cmpi slt, %get3A_1, %lt3A_200 : vector<100x1000xi32>
    %convert_element_type3A_202 = arith.extui %lt3A_201 : vector<100x1000xi1> to vector<100x1000xi32>
    %reduce_sum3A_203 = vector.shape_cast %convert_element_type3A_202 : vector<100x1000xi32> to vector<1x100x1000xi32>
    %reduce_sum3A_204 = arith.constant dense<0> : vector<1xi32>
    %reduce_sum3A_205 = vector.multi_reduction <add>, %reduce_sum3A_203, %reduce_sum3A_204 [1, 2] : vector<1x100x1000xi32> to vector<1xi32>
    %reduce_sum3A_206 = vector.shape_cast %reduce_sum3A_205 : vector<1xi32> to vector<1x1x1xi32>
    %reduce_sum3A_207 = vector.extract %reduce_sum3A_206[0, 0, 0] : i32 from vector<1x1x1xi32>
    %swap3A_208 = arith.constant 19 : index
    %swap3A_209 = memref.load %arg1[%swap3A_208] : memref<48xi32, #tpu.memory_space<smem>>
    memref.store %reduce_sum3A_207, %arg1[%swap3A_208] : memref<48xi32, #tpu.memory_space<smem>>
    %lt3A_210 = arith.constant 1280 : i32
    %lt3A_211 = vector.broadcast %lt3A_210 : i32 to vector<100x1000xi32>
    %lt3A_212 = arith.cmpi slt, %get3A_1, %lt3A_211 : vector<100x1000xi32>
    %convert_element_type3A_213 = arith.extui %lt3A_212 : vector<100x1000xi1> to vector<100x1000xi32>
    %reduce_sum3A_214 = vector.shape_cast %convert_element_type3A_213 : vector<100x1000xi32> to vector<1x100x1000xi32>
    %reduce_sum3A_215 = arith.constant dense<0> : vector<1xi32>
    %reduce_sum3A_216 = vector.multi_reduction <add>, %reduce_sum3A_214, %reduce_sum3A_215 [1, 2] : vector<1x100x1000xi32> to vector<1xi32>
    %reduce_sum3A_217 = vector.shape_cast %reduce_sum3A_216 : vector<1xi32> to vector<1x1x1xi32>
    %reduce_sum3A_218 = vector.extract %reduce_sum3A_217[0, 0, 0] : i32 from vector<1x1x1xi32>
    %swap3A_219 = arith.constant 20 : index
    %swap3A_220 = memref.load %arg1[%swap3A_219] : memref<48xi32, #tpu.memory_space<smem>>
    memref.store %reduce_sum3A_218, %arg1[%swap3A_219] : memref<48xi32, #tpu.memory_space<smem>>
    %lt3A_221 = arith.constant 1344 : i32
    %lt3A_222 = vector.broadcast %lt3A_221 : i32 to vector<100x1000xi32>
    %lt3A_223 = arith.cmpi slt, %get3A_1, %lt3A_222 : vector<100x1000xi32>
    %convert_element_type3A_224 = arith.extui %lt3A_223 : vector<100x1000xi1> to vector<100x1000xi32>
    %reduce_sum3A_225 = vector.shape_cast %convert_element_type3A_224 : vector<100x1000xi32> to vector<1x100x1000xi32>
    %reduce_sum3A_226 = arith.constant dense<0> : vector<1xi32>
    %reduce_sum3A_227 = vector.multi_reduction <add>, %reduce_sum3A_225, %reduce_sum3A_226 [1, 2] : vector<1x100x1000xi32> to vector<1xi32>
    %reduce_sum3A_228 = vector.shape_cast %reduce_sum3A_227 : vector<1xi32> to vector<1x1x1xi32>
    %reduce_sum3A_229 = vector.extract %reduce_sum3A_228[0, 0, 0] : i32 from vector<1x1x1xi32>
    %swap3A_230 = arith.constant 21 : index
    %swap3A_231 = memref.load %arg1[%swap3A_230] : memref<48xi32, #tpu.memory_space<smem>>
    memref.store %reduce_sum3A_229, %arg1[%swap3A_230] : memref<48xi32, #tpu.memory_space<smem>>
    %lt3A_232 = arith.constant 1408 : i32
    %lt3A_233 = vector.broadcast %lt3A_232 : i32 to vector<100x1000xi32>
    %lt3A_234 = arith.cmpi slt, %get3A_1, %lt3A_233 : vector<100x1000xi32>
    %convert_element_type3A_235 = arith.extui %lt3A_234 : vector<100x1000xi1> to vector<100x1000xi32>
    %reduce_sum3A_236 = vector.shape_cast %convert_element_type3A_235 : vector<100x1000xi32> to vector<1x100x1000xi32>
    %reduce_sum3A_237 = arith.constant dense<0> : vector<1xi32>
    %reduce_sum3A_238 = vector.multi_reduction <add>, %reduce_sum3A_236, %reduce_sum3A_237 [1, 2] : vector<1x100x1000xi32> to vector<1xi32>
    %reduce_sum3A_239 = vector.shape_cast %reduce_sum3A_238 : vector<1xi32> to vector<1x1x1xi32>
    %reduce_sum3A_240 = vector.extract %reduce_sum3A_239[0, 0, 0] : i32 from vector<1x1x1xi32>
    %swap3A_241 = arith.constant 22 : index
    %swap3A_242 = memref.load %arg1[%swap3A_241] : memref<48xi32, #tpu.memory_space<smem>>
    memref.store %reduce_sum3A_240, %arg1[%swap3A_241] : memref<48xi32, #tpu.memory_space<smem>>
    %lt3A_243 = arith.constant 1472 : i32
    %lt3A_244 = vector.broadcast %lt3A_243 : i32 to vector<100x1000xi32>
    %lt3A_245 = arith.cmpi slt, %get3A_1, %lt3A_244 : vector<100x1000xi32>
    %convert_element_type3A_246 = arith.extui %lt3A_245 : vector<100x1000xi1> to vector<100x1000xi32>
    %reduce_sum3A_247 = vector.shape_cast %convert_element_type3A_246 : vector<100x1000xi32> to vector<1x100x1000xi32>
    %reduce_sum3A_248 = arith.constant dense<0> : vector<1xi32>
    %reduce_sum3A_249 = vector.multi_reduction <add>, %reduce_sum3A_247, %reduce_sum3A_248 [1, 2] : vector<1x100x1000xi32> to vector<1xi32>
    %reduce_sum3A_250 = vector.shape_cast %reduce_sum3A_249 : vector<1xi32> to vector<1x1x1xi32>
    %reduce_sum3A_251 = vector.extract %reduce_sum3A_250[0, 0, 0] : i32 from vector<1x1x1xi32>
    %swap3A_252 = arith.constant 23 : index
    %swap3A_253 = memref.load %arg1[%swap3A_252] : memref<48xi32, #tpu.memory_space<smem>>
    memref.store %reduce_sum3A_251, %arg1[%swap3A_252] : memref<48xi32, #tpu.memory_space<smem>>
    %lt3A_254 = arith.constant 1536 : i32
    %lt3A_255 = vector.broadcast %lt3A_254 : i32 to vector<100x1000xi32>
    %lt3A_256 = arith.cmpi slt, %get3A_1, %lt3A_255 : vector<100x1000xi32>
    %convert_element_type3A_257 = arith.extui %lt3A_256 : vector<100x1000xi1> to vector<100x1000xi32>
    %reduce_sum3A_258 = vector.shape_cast %convert_element_type3A_257 : vector<100x1000xi32> to vector<1x100x1000xi32>
    %reduce_sum3A_259 = arith.constant dense<0> : vector<1xi32>
    %reduce_sum3A_260 = vector.multi_reduction <add>, %reduce_sum3A_258, %reduce_sum3A_259 [1, 2] : vector<1x100x1000xi32> to vector<1xi32>
    %reduce_sum3A_261 = vector.shape_cast %reduce_sum3A_260 : vector<1xi32> to vector<1x1x1xi32>
    %reduce_sum3A_262 = vector.extract %reduce_sum3A_261[0, 0, 0] : i32 from vector<1x1x1xi32>
    %swap3A_263 = arith.constant 24 : index
    %swap3A_264 = memref.load %arg1[%swap3A_263] : memref<48xi32, #tpu.memory_space<smem>>
    memref.store %reduce_sum3A_262, %arg1[%swap3A_263] : memref<48xi32, #tpu.memory_space<smem>>
    %lt3A_265 = arith.constant 1600 : i32
    %lt3A_266 = vector.broadcast %lt3A_265 : i32 to vector<100x1000xi32>
    %lt3A_267 = arith.cmpi slt, %get3A_1, %lt3A_266 : vector<100x1000xi32>
    %convert_element_type3A_268 = arith.extui %lt3A_267 : vector<100x1000xi1> to vector<100x1000xi32>
    %reduce_sum3A_269 = vector.shape_cast %convert_element_type3A_268 : vector<100x1000xi32> to vector<1x100x1000xi32>
    %reduce_sum3A_270 = arith.constant dense<0> : vector<1xi32>
    %reduce_sum3A_271 = vector.multi_reduction <add>, %reduce_sum3A_269, %reduce_sum3A_270 [1, 2] : vector<1x100x1000xi32> to vector<1xi32>
    %reduce_sum3A_272 = vector.shape_cast %reduce_sum3A_271 : vector<1xi32> to vector<1x1x1xi32>
    %reduce_sum3A_273 = vector.extract %reduce_sum3A_272[0, 0, 0] : i32 from vector<1x1x1xi32>
    %swap3A_274 = arith.constant 25 : index
    %swap3A_275 = memref.load %arg1[%swap3A_274] : memref<48xi32, #tpu.memory_space<smem>>
    memref.store %reduce_sum3A_273, %arg1[%swap3A_274] : memref<48xi32, #tpu.memory_space<smem>>
    %lt3A_276 = arith.constant 1664 : i32
    %lt3A_277 = vector.broadcast %lt3A_276 : i32 to vector<100x1000xi32>
    %lt3A_278 = arith.cmpi slt, %get3A_1, %lt3A_277 : vector<100x1000xi32>
    %convert_element_type3A_279 = arith.extui %lt3A_278 : vector<100x1000xi1> to vector<100x1000xi32>
    %reduce_sum3A_280 = vector.shape_cast %convert_element_type3A_279 : vector<100x1000xi32> to vector<1x100x1000xi32>
    %reduce_sum3A_281 = arith.constant dense<0> : vector<1xi32>
    %reduce_sum3A_282 = vector.multi_reduction <add>, %reduce_sum3A_280, %reduce_sum3A_281 [1, 2] : vector<1x100x1000xi32> to vector<1xi32>
    %reduce_sum3A_283 = vector.shape_cast %reduce_sum3A_282 : vector<1xi32> to vector<1x1x1xi32>
    %reduce_sum3A_284 = vector.extract %reduce_sum3A_283[0, 0, 0] : i32 from vector<1x1x1xi32>
    %swap3A_285 = arith.constant 26 : index
    %swap3A_286 = memref.load %arg1[%swap3A_285] : memref<48xi32, #tpu.memory_space<smem>>
    memref.store %reduce_sum3A_284, %arg1[%swap3A_285] : memref<48xi32, #tpu.memory_space<smem>>
    %lt3A_287 = arith.constant 1728 : i32
    %lt3A_288 = vector.broadcast %lt3A_287 : i32 to vector<100x1000xi32>
    %lt3A_289 = arith.cmpi slt, %get3A_1, %lt3A_288 : vector<100x1000xi32>
    %convert_element_type3A_290 = arith.extui %lt3A_289 : vector<100x1000xi1> to vector<100x1000xi32>
    %reduce_sum3A_291 = vector.shape_cast %convert_element_type3A_290 : vector<100x1000xi32> to vector<1x100x1000xi32>
    %reduce_sum3A_292 = arith.constant dense<0> : vector<1xi32>
    %reduce_sum3A_293 = vector.multi_reduction <add>, %reduce_sum3A_291, %reduce_sum3A_292 [1, 2] : vector<1x100x1000xi32> to vector<1xi32>
    %reduce_sum3A_294 = vector.shape_cast %reduce_sum3A_293 : vector<1xi32> to vector<1x1x1xi32>
    %reduce_sum3A_295 = vector.extract %reduce_sum3A_294[0, 0, 0] : i32 from vector<1x1x1xi32>
    %swap3A_296 = arith.constant 27 : index
    %swap3A_297 = memref.load %arg1[%swap3A_296] : memref<48xi32, #tpu.memory_space<smem>>
    memref.store %reduce_sum3A_295, %arg1[%swap3A_296] : memref<48xi32, #tpu.memory_space<smem>>
    %lt3A_298 = arith.constant 1792 : i32
    %lt3A_299 = vector.broadcast %lt3A_298 : i32 to vector<100x1000xi32>
    %lt3A_300 = arith.cmpi slt, %get3A_1, %lt3A_299 : vector<100x1000xi32>
    %convert_element_type3A_301 = arith.extui %lt3A_300 : vector<100x1000xi1> to vector<100x1000xi32>
    %reduce_sum3A_302 = vector.shape_cast %convert_element_type3A_301 : vector<100x1000xi32> to vector<1x100x1000xi32>
    %reduce_sum3A_303 = arith.constant dense<0> : vector<1xi32>
    %reduce_sum3A_304 = vector.multi_reduction <add>, %reduce_sum3A_302, %reduce_sum3A_303 [1, 2] : vector<1x100x1000xi32> to vector<1xi32>
    %reduce_sum3A_305 = vector.shape_cast %reduce_sum3A_304 : vector<1xi32> to vector<1x1x1xi32>
    %reduce_sum3A_306 = vector.extract %reduce_sum3A_305[0, 0, 0] : i32 from vector<1x1x1xi32>
    %swap3A_307 = arith.constant 28 : index
    %swap3A_308 = memref.load %arg1[%swap3A_307] : memref<48xi32, #tpu.memory_space<smem>>
    memref.store %reduce_sum3A_306, %arg1[%swap3A_307] : memref<48xi32, #tpu.memory_space<smem>>
    %lt3A_309 = arith.constant 1856 : i32
    %lt3A_310 = vector.broadcast %lt3A_309 : i32 to vector<100x1000xi32>
    %lt3A_311 = arith.cmpi slt, %get3A_1, %lt3A_310 : vector<100x1000xi32>
    %convert_element_type3A_312 = arith.extui %lt3A_311 : vector<100x1000xi1> to vector<100x1000xi32>
    %reduce_sum3A_313 = vector.shape_cast %convert_element_type3A_312 : vector<100x1000xi32> to vector<1x100x1000xi32>
    %reduce_sum3A_314 = arith.constant dense<0> : vector<1xi32>
    %reduce_sum3A_315 = vector.multi_reduction <add>, %reduce_sum3A_313, %reduce_sum3A_314 [1, 2] : vector<1x100x1000xi32> to vector<1xi32>
    %reduce_sum3A_316 = vector.shape_cast %reduce_sum3A_315 : vector<1xi32> to vector<1x1x1xi32>
    %reduce_sum3A_317 = vector.extract %reduce_sum3A_316[0, 0, 0] : i32 from vector<1x1x1xi32>
    %swap3A_318 = arith.constant 29 : index
    %swap3A_319 = memref.load %arg1[%swap3A_318] : memref<48xi32, #tpu.memory_space<smem>>
    memref.store %reduce_sum3A_317, %arg1[%swap3A_318] : memref<48xi32, #tpu.memory_space<smem>>
    %lt3A_320 = arith.constant 1920 : i32
    %lt3A_321 = vector.broadcast %lt3A_320 : i32 to vector<100x1000xi32>
    %lt3A_322 = arith.cmpi slt, %get3A_1, %lt3A_321 : vector<100x1000xi32>
    %convert_element_type3A_323 = arith.extui %lt3A_322 : vector<100x1000xi1> to vector<100x1000xi32>
    %reduce_sum3A_324 = vector.shape_cast %convert_element_type3A_323 : vector<100x1000xi32> to vector<1x100x1000xi32>
    %reduce_sum3A_325 = arith.constant dense<0> : vector<1xi32>
    %reduce_sum3A_326 = vector.multi_reduction <add>, %reduce_sum3A_324, %reduce_sum3A_325 [1, 2] : vector<1x100x1000xi32> to vector<1xi32>
    %reduce_sum3A_327 = vector.shape_cast %reduce_sum3A_326 : vector<1xi32> to vector<1x1x1xi32>
    %reduce_sum3A_328 = vector.extract %reduce_sum3A_327[0, 0, 0] : i32 from vector<1x1x1xi32>
    %swap3A_329 = arith.constant 30 : index
    %swap3A_330 = memref.load %arg1[%swap3A_329] : memref<48xi32, #tpu.memory_space<smem>>
    memref.store %reduce_sum3A_328, %arg1[%swap3A_329] : memref<48xi32, #tpu.memory_space<smem>>
    %lt3A_331 = arith.constant 1984 : i32
    %lt3A_332 = vector.broadcast %lt3A_331 : i32 to vector<100x1000xi32>
    %lt3A_333 = arith.cmpi slt, %get3A_1, %lt3A_332 : vector<100x1000xi32>
    %convert_element_type3A_334 = arith.extui %lt3A_333 : vector<100x1000xi1> to vector<100x1000xi32>
    %reduce_sum3A_335 = vector.shape_cast %convert_element_type3A_334 : vector<100x1000xi32> to vector<1x100x1000xi32>
    %reduce_sum3A_336 = arith.constant dense<0> : vector<1xi32>
    %reduce_sum3A_337 = vector.multi_reduction <add>, %reduce_sum3A_335, %reduce_sum3A_336 [1, 2] : vector<1x100x1000xi32> to vector<1xi32>
    %reduce_sum3A_338 = vector.shape_cast %reduce_sum3A_337 : vector<1xi32> to vector<1x1x1xi32>
    %reduce_sum3A_339 = vector.extract %reduce_sum3A_338[0, 0, 0] : i32 from vector<1x1x1xi32>
    %swap3A_340 = arith.constant 31 : index
    %swap3A_341 = memref.load %arg1[%swap3A_340] : memref<48xi32, #tpu.memory_space<smem>>
    memref.store %reduce_sum3A_339, %arg1[%swap3A_340] : memref<48xi32, #tpu.memory_space<smem>>
    %swap3A_342 = arith.constant 100000 : i32
    %swap3A_343 = arith.constant 32 : index
    %swap3A_344 = memref.load %arg1[%swap3A_343] : memref<48xi32, #tpu.memory_space<smem>>
    memref.store %swap3A_342, %arg1[%swap3A_343] : memref<48xi32, #tpu.memory_space<smem>>
    %swap3A_345 = arith.constant 0 : i32
    %swap3A_346 = arith.constant 33 : index
    %swap3A_347 = memref.load %arg1[%swap3A_346] : memref<48xi32, #tpu.memory_space<smem>>
    memref.store %swap3A_345, %arg1[%swap3A_346] : memref<48xi32, #tpu.memory_space<smem>>
    %swap3A_348 = arith.constant 0 : i32
    %swap3A_349 = arith.constant 34 : index
    %swap3A_350 = memref.load %arg1[%swap3A_349] : memref<48xi32, #tpu.memory_space<smem>>
    memref.store %swap3A_348, %arg1[%swap3A_349] : memref<48xi32, #tpu.memory_space<smem>>
    %swap3A_351 = arith.constant 0 : i32
    %swap3A_352 = arith.constant 35 : index
    %swap3A_353 = memref.load %arg1[%swap3A_352] : memref<48xi32, #tpu.memory_space<smem>>
    memref.store %swap3A_351, %arg1[%swap3A_352] : memref<48xi32, #tpu.memory_space<smem>>
    %swap3A_354 = arith.constant 0 : i32
    %swap3A_355 = arith.constant 36 : index
    %swap3A_356 = memref.load %arg1[%swap3A_355] : memref<48xi32, #tpu.memory_space<smem>>
    memref.store %swap3A_354, %arg1[%swap3A_355] : memref<48xi32, #tpu.memory_space<smem>>
    %swap3A_357 = arith.constant 0 : i32
    %swap3A_358 = arith.constant 37 : index
    %swap3A_359 = memref.load %arg1[%swap3A_358] : memref<48xi32, #tpu.memory_space<smem>>
    memref.store %swap3A_357, %arg1[%swap3A_358] : memref<48xi32, #tpu.memory_space<smem>>
    %swap3A_360 = arith.constant 0 : i32
    %swap3A_361 = arith.constant 38 : index
    %swap3A_362 = memref.load %arg1[%swap3A_361] : memref<48xi32, #tpu.memory_space<smem>>
    memref.store %swap3A_360, %arg1[%swap3A_361] : memref<48xi32, #tpu.memory_space<smem>>
    %swap3A_363 = arith.constant 0 : i32
    %swap3A_364 = arith.constant 39 : index
    %swap3A_365 = memref.load %arg1[%swap3A_364] : memref<48xi32, #tpu.memory_space<smem>>
    memref.store %swap3A_363, %arg1[%swap3A_364] : memref<48xi32, #tpu.memory_space<smem>>
    %swap3A_366 = arith.constant 0 : i32
    %swap3A_367 = arith.constant 40 : index
    %swap3A_368 = memref.load %arg1[%swap3A_367] : memref<48xi32, #tpu.memory_space<smem>>
    memref.store %swap3A_366, %arg1[%swap3A_367] : memref<48xi32, #tpu.memory_space<smem>>
    %swap3A_369 = arith.constant 0 : i32
    %swap3A_370 = arith.constant 41 : index
    %swap3A_371 = memref.load %arg1[%swap3A_370] : memref<48xi32, #tpu.memory_space<smem>>
    memref.store %swap3A_369, %arg1[%swap3A_370] : memref<48xi32, #tpu.memory_space<smem>>
    %swap3A_372 = arith.constant 0 : i32
    %swap3A_373 = arith.constant 42 : index
    %swap3A_374 = memref.load %arg1[%swap3A_373] : memref<48xi32, #tpu.memory_space<smem>>
    memref.store %swap3A_372, %arg1[%swap3A_373] : memref<48xi32, #tpu.memory_space<smem>>
    %swap3A_375 = arith.constant 0 : i32
    %swap3A_376 = arith.constant 43 : index
    %swap3A_377 = memref.load %arg1[%swap3A_376] : memref<48xi32, #tpu.memory_space<smem>>
    memref.store %swap3A_375, %arg1[%swap3A_376] : memref<48xi32, #tpu.memory_space<smem>>
    %swap3A_378 = arith.constant 0 : i32
    %swap3A_379 = arith.constant 44 : index
    %swap3A_380 = memref.load %arg1[%swap3A_379] : memref<48xi32, #tpu.memory_space<smem>>
    memref.store %swap3A_378, %arg1[%swap3A_379] : memref<48xi32, #tpu.memory_space<smem>>
    %swap3A_381 = arith.constant 0 : i32
    %swap3A_382 = arith.constant 45 : index
    %swap3A_383 = memref.load %arg1[%swap3A_382] : memref<48xi32, #tpu.memory_space<smem>>
    memref.store %swap3A_381, %arg1[%swap3A_382] : memref<48xi32, #tpu.memory_space<smem>>
    %swap3A_384 = arith.constant 0 : i32
    %swap3A_385 = arith.constant 46 : index
    %swap3A_386 = memref.load %arg1[%swap3A_385] : memref<48xi32, #tpu.memory_space<smem>>
    memref.store %swap3A_384, %arg1[%swap3A_385] : memref<48xi32, #tpu.memory_space<smem>>
    %swap3A_387 = arith.constant 0 : i32
    %swap3A_388 = arith.constant 47 : index
    %swap3A_389 = memref.load %arg1[%swap3A_388] : memref<48xi32, #tpu.memory_space<smem>>
    memref.store %swap3A_387, %arg1[%swap3A_388] : memref<48xi32, #tpu.memory_space<smem>>
    return
  }
}

module attributes {stable_mosaic.version = 14 : i64} {
  func.func @_head_body(%arg0: memref<2048x128xf32, #tpu.memory_space<vmem>>, %arg1: memref<100x128xf32, #tpu.memory_space<vmem>>, %arg2: memref<128x128xf32, #tpu.memory_space<vmem>>, %arg3: memref<1x128xf32, #tpu.memory_space<vmem>>, %arg4: memref<1x128xf32, #tpu.memory_space<vmem>>, %arg5: memref<1xf32, #tpu.memory_space<smem>>, %arg6: memref<2048xf32, #tpu.memory_space<vmem>>) attributes {dimension_semantics = [], scalar_prefetch = 0 : i64, scratch_operands = 0 : i64, tpu.core_type = #tpu.core_type<tc>} {
    %get3A = arith.constant 0 : index
    %get3A_0 = arith.constant 0 : index
    %get3A_1 = vector.load %arg0[%get3A, %get3A_0] : memref<2048x128xf32, #tpu.memory_space<vmem>>, vector<2048x128xf32>
    %reduce_sum3A = arith.constant dense<0.000000e+00> : vector<2048xf32>
    %reduce_sum3A_2 = vector.multi_reduction <add>, %get3A_1, %reduce_sum3A [1] : vector<2048x128xf32> to vector<2048xf32>
    %broadcast_in_dim3A = vector.shape_cast %reduce_sum3A_2 : vector<2048xf32> to vector<2048x1xf32>
    %max3A = arith.constant 1.000000e+00 : f32
    %max3A_3 = vector.broadcast %max3A : f32 to vector<2048x1xf32>
    %max3A_4 = arith.maximumf %broadcast_in_dim3A, %max3A_3 : vector<2048x1xf32>
    %slice3A = vector.extract_strided_slice %get3A_1 {offsets = [0, 0], sizes = [2048, 100], strides = [1, 1]} : vector<2048x128xf32> to vector<2048x100xf32>
    %get3A_5 = arith.constant 0 : index
    %get3A_6 = arith.constant 0 : index
    %get3A_7 = vector.load %arg1[%get3A_5, %get3A_6] : memref<100x128xf32, #tpu.memory_space<vmem>>, vector<100x128xf32>
    %dot_general3A = arith.constant dense<0.000000e+00> : vector<2048x128xf32>
    %dot_general3A_8 = tpu.matmul %slice3A, %get3A_7, %dot_general3A {dimension_numbers = #tpu.dot_dimension_numbers<[1], [0], [0], [1], [0, 0, 1, 1], [], []>, transpose_lhs_hint = false} : vector<2048x100xf32>, vector<100x128xf32>, vector<2048x128xf32> -> vector<2048x128xf32>
    %div3A = vector.broadcast %max3A_4 : vector<2048x1xf32> to vector<2048x128xf32>
    %div3A_9 = arith.divf %dot_general3A_8, %div3A : vector<2048x128xf32>
    %get3A_10 = arith.constant 0 : index
    %get3A_11 = arith.constant 0 : index
    %get3A_12 = vector.load %arg2[%get3A_10, %get3A_11] : memref<128x128xf32, #tpu.memory_space<vmem>>, vector<128x128xf32>
    %dot_general3A_13 = arith.constant dense<0.000000e+00> : vector<2048x128xf32>
    %dot_general3A_14 = tpu.matmul %div3A_9, %get3A_12, %dot_general3A_13 {dimension_numbers = #tpu.dot_dimension_numbers<[1], [1], [0], [0], [0, 0, 1, 0], [], []>, transpose_lhs_hint = false} : vector<2048x128xf32>, vector<128x128xf32>, vector<2048x128xf32> -> vector<2048x128xf32>
    %get3A_15 = arith.constant 0 : index
    %get3A_16 = arith.constant 0 : index
    %get3A_17 = vector.load %arg3[%get3A_15, %get3A_16] : memref<1x128xf32, #tpu.memory_space<vmem>>, vector<1x128xf32>
    %add3A = vector.broadcast %get3A_17 : vector<1x128xf32> to vector<2048x128xf32>
    %add3A_18 = arith.addf %dot_general3A_14, %add3A : vector<2048x128xf32>
    %max3A_19 = arith.constant 0.000000e+00 : f32
    %max3A_20 = vector.broadcast %max3A_19 : f32 to vector<2048x128xf32>
    %max3A_21 = arith.maximumf %add3A_18, %max3A_20 : vector<2048x128xf32>
    %get3A_22 = arith.constant 0 : index
    %get3A_23 = arith.constant 0 : index
    %get3A_24 = vector.load %arg4[%get3A_22, %get3A_23] : memref<1x128xf32, #tpu.memory_space<vmem>>, vector<1x128xf32>
    %mul3A = vector.broadcast %get3A_24 : vector<1x128xf32> to vector<2048x128xf32>
    %mul3A_25 = arith.mulf %max3A_21, %mul3A : vector<2048x128xf32>
    %reduce_sum3A_26 = arith.constant dense<0.000000e+00> : vector<2048xf32>
    %reduce_sum3A_27 = vector.multi_reduction <add>, %mul3A_25, %reduce_sum3A_26 [1] : vector<2048x128xf32> to vector<2048xf32>
    %get3A_28 = arith.constant 0 : index
    %get3A_29 = memref.load %arg5[%get3A_28] : memref<1xf32, #tpu.memory_space<smem>>
    %add3A_30 = vector.broadcast %get3A_29 : f32 to vector<2048xf32>
    %add3A_31 = arith.addf %reduce_sum3A_27, %add3A_30 : vector<2048xf32>
    %swap3A = arith.constant 0 : index
    %swap3A_32 = vector.load %arg6[%swap3A] : memref<2048xf32, #tpu.memory_space<vmem>>, vector<2048xf32>
    tpu.vector_store %arg6[%swap3A], %add3A_31 {strides = array<i32>} : memref<2048xf32, #tpu.memory_space<vmem>>, vector<2048xf32>,
    return
  }
}

</mosaic_0001>

<sc_bundles>
// kernel: kernel.5.cloned.1.call-start
scs
__scs_entry_jumppad:
0x0: {  	(pc) =	sbr.rel $0x88, $3  }
0x1: {  	(tag) =	ssettag $0x0;
	lr =	simm.s32 $0x1  }
0x2: {  	[smem:$0x3F9A] =	sst lr;
	_ =	strace $0xD0000000  }
0x3: {  	_ = 	snop  }
0x4: {  	_ = 	snop  }
0x5: {  	_ = 	snop  }
0x6: {  	_ = 	snop  }
0x7: {  	_ = 	snop  }
__scs_overlays_trampoline_lowered:
0x8: {  	[smem:$0x3FA9] =	sst s0  }
0x9: {  	[smem:$0x3FAA] =	sst s1  }
0xa: {  	[smem:$0x3FAB] =	sst s2  }
0xb: {  	[smem:$0x3FAC] =	sst s3  }
0xc: {  	[smem:$0x3FAD] =	sst s4  }
0xd: {  	[smem:$0x3FAE] =	sst s5  }
0xe: {  	[smem:$0x3FAF] =	sst s6  }
0xf: {  	[smem:$0x3FB0] =	sst s7  }
0x10: {  	[smem:$0x3FB1] =	sst s8  }
0x11: {  	[smem:$0x3FB2] =	sst s9;
	s0 =	simm.s32 @!p0 $0x0  }
0x12: {  	s1 =	sld [smem:$0x3F98];
	s0 =	simm.s32 @p0 $0x1  }
0x13: {  	[smem:$0x3FB3] =	sst s0;
	s0 =	simm.s32 @!p1 $0x0  }
0x14: {  	s2 =	sld [smem:$0x3F97];
	s0 =	simm.s32 @p1 $0x1  }
0x15: {  	[smem:$0x3FB4] =	sst s0;
	s0 =	simm.s32 @!p2 $0x0  }
0x16: {  	s3 =	sld [smem:$0x3FDB];
	s0 =	simm.s32 @p2 $0x1  }
0x17: {  	s4 =	simm.s32 $0x1BF5;
	[smem:$0x3FB6] =	sst s0  }
0x18: {  	s0 =	sld [smem:$0x3F99];
	_ =	swait.ge [sflag:s4], $0x0  }
0x19: {  	s7 =	sld [smem:$0x3F9A]  }
0x1a: {  	s8 =	sadd.s32 $0xFFFFE003, lr  }
0x1b: {  	s9 =	sadd.s32 $0xFFFFFEF7, lr;
	s5 =	simm.s32 $0xFFFFFFFF;
	p2 =	slt.u32 s8, $0xFFFFF086  }
0x1c: {  	p1 =	slt.u32 s9, $0xF7A;
	s5 =	simm.s32 @!p2 $0x0  }
0x1d: {  	s5 =	simm.s32 @p1 $0x1;
	p0 =	seq.s32 s7, s2  }
0x1e: {  	s7 =	smul.u32 @!p0 $0xF7A, s2;
	p2 =	seq.s32 @!p0 s5, $0x0  }
0x1f: {  	s9 =	smul.u32 $0xF7A, s1;
	s8 =	simm.s32 @!p0 $0x1BF5;
	p2 =	por !p2, p0  }
0x20: {  	[sflag:s8] =	ssyncset.s32 @!p0 $0xFFFFF086;
	s6 =	sadd.s32 @!p0 s3, s7;
	s7 =	simm.s32 @!p0 $0x108  }
0x21: {  	s3 =	sadd.s32 s3, s9;
	s6 =	sadd.s32 @!p0 $0x88, s6;
	s7 =	simm.s32 @p2 $0x1082  }
0x22: {  	[simem:s7], [sflag:s8] =	dma.local @!p0 [hbm:s6], $0xF7A  }
0x23: {  	s9 =	sor.u32 $0xD0000000, s2;
	s6 =	simm.s32 $0x108;
	_ =	swait.ge @!p0 [sflag:s8], $0x0  }
0x24: {  	s3 =	sadd.s32 $0x88, s3;
	s6 =	simm.s32 @!p1 $0x1082;
	[sflag:s4] =	ssyncset.s32 $0xFFFFF086  }
0x25: {  	[simem:s6], [sflag:s4] =	dma.local [hbm:s3], $0xF7A  }
0x26: {  	[smem:$0x3F9A] =	sst s1;
	(tag) =	ssettag s2;
	_ =	strace s9  }
0x27: {  	s1 =	sld [smem:$0x3FAA]  }
0x28: {  	s2 =	sld [smem:$0x3FAB]  }
0x29: {  	s4 =	sld [smem:$0x3FAD]  }
0x2a: {  	p0 =	seq.s32 s5, $0x0;
	s5 =	sld [smem:$0x3FAE]  }
0x2b: {  	s6 =	sld [smem:$0x3FAF]  }
0x2c: {  	s7 =	sld [smem:$0x3FB0]  }
0x2d: {  	s3 =	simm.s32 $0x108;
	s8 =	sld [smem:$0x3FB1]  }
0x2e: {  	s3 =	simm.s32 @!p0 $0x1082;
	s9 =	sld [smem:$0x3FB2]  }
0x2f: {  	lr =	sadd.s32 s0, s3;
	s0 =	sld [smem:$0x3FA9]  }
0x30: {  	s3 =	sld [smem:$0x3FAC]  }
0x31: {  	[smem:$0x3FB5] =	sst s10  }
0x32: {  	s10 =	sld [smem:$0x3FB3];
	_ =	sdelay $0x3  }
0x33: {  	p0 =	seq.s32 s10, $0x1;
	s10 =	sld [smem:$0x3FB5];
	_ =	sdelay $0x3  }
0x34: {  	[smem:$0x3FB5] =	sst s10  }
0x35: {  	s10 =	sld [smem:$0x3FB4];
	_ =	sdelay $0x3  }
0x36: {  	p1 =	seq.s32 s10, $0x1;
	s10 =	sld [smem:$0x3FB5];
	_ =	sdelay $0x3  }
0x37: {  	[smem:$0x3FB5] =	sst s10  }
0x38: {  	s10 =	sld [smem:$0x3FB6]  }
0x39: {  	_ = 	snop;
	(pc) =	sbr.ind lr, $3  }
0x3a: {  	_ = 	snop  }
0x3b: {  	_ = 	snop  }
0x3c: {  	p2 =	seq.s32 s10, $0x1;
	s10 =	sld [smem:$0x3FB5]  }
0x3d: {  	_ =	shalt  }
0x3e: {  	_ =	shalt  }
0x3f: {  	_ =	shalt  }
0x40: {  	_ =	shalt  }
0x41: {  	_ =	shalt  }
0x42: {  	_ =	shalt  }
0x43: {  	_ =	shalt  }
0x44: {  	_ =	shalt  }
0x45: {  	_ =	shalt  }
0x46: {  	_ =	shalt  }
0x47: {  	_ =	shalt  }
0x48: {  	_ =	shalt  }
0x49: {  	_ =	shalt  }
0x4a: {  	_ =	shalt  }
0x4b: {  	_ =	shalt  }
0x4c: {  	_ =	shalt  }
0x4d: {  	_ =	shalt  }
0x4e: {  	_ =	shalt  }
0x4f: {  	_ =	shalt  }
0x50: {  	_ =	shalt  }
0x51: {  	_ =	shalt  }
0x52: {  	_ =	shalt  }
0x53: {  	_ =	shalt  }
0x54: {  	_ =	shalt  }
0x55: {  	_ =	shalt  }
0x56: {  	_ =	shalt  }
0x57: {  	_ =	shalt  }
0x58: {  	_ =	shalt  }
0x59: {  	_ =	shalt  }
0x5a: {  	_ =	shalt  }
0x5b: {  	_ =	shalt  }
0x5c: {  	_ =	shalt  }
0x5d: {  	_ =	shalt  }
0x5e: {  	_ =	shalt  }
0x5f: {  	_ =	shalt  }
0x60: {  	_ =	shalt  }
0x61: {  	_ =	shalt  }
0x62: {  	_ =	shalt  }
0x63: {  	_ =	shalt  }
0x64: {  	_ =	shalt  }
0x65: {  	_ =	shalt  }
0x66: {  	_ =	shalt  }
0x67: {  	_ =	shalt  }
0x68: {  	_ =	shalt  }
0x69: {  	_ =	shalt  }
0x6a: {  	_ =	shalt  }
0x6b: {  	_ =	shalt  }
0x6c: {  	_ =	shalt  }
0x6d: {  	_ =	shalt  }
0x6e: {  	_ =	shalt  }
0x6f: {  	_ =	shalt  }
0x70: {  	_ =	shalt  }
0x71: {  	_ =	shalt  }
0x72: {  	_ =	shalt  }
0x73: {  	_ =	shalt  }
0x74: {  	_ =	shalt  }
0x75: {  	_ =	shalt  }
0x76: {  	_ =	shalt  }
0x77: {  	_ =	shalt  }
0x78: {  	_ =	shalt  }
0x79: {  	_ =	shalt  }
0x7a: {  	_ =	shalt  }
0x7b: {  	_ =	shalt  }
0x7c: {  	_ =	shalt  }
0x7d: {  	_ =	shalt  }
0x7e: {  	_ =	shalt  }
0x7f: {  	_ =	shalt  }
0x80: {  	_ =	shalt  }
0x81: {  	_ =	shalt  }
0x82: {  	_ =	shalt  }
0x83: {  	_ =	shalt  }
0x84: {  	_ =	shalt  }
0x85: {  	_ =	shalt  }
0x86: {  	_ =	shalt  }
0x87: {  	_ =	shalt  }
.Lfunc_end0:
.L_simem_size_0:
called_computation_lowered:
.L_overlay_start_0:
0x88: {  	s2 =	sld [smem:$0x3FD9]  }
0x89: {  	s3 =	sld [smem:$0x3FFE];
	_ =	sdelay $0x1  }
0x8a: {  	s1 =	srdreg.scid  }
0x8b: {  	s0 =	sand.u32 $0x1, s1  }
0x8c: {  	s17 =	sshll.u32 s0, $0xA;
	s2 =	sadd.s32 s3, s2  }
0x8d: {  	s2 =	sadd.s32 s2, s17  }
0x8e: {  	[smem:$0x3FC1] =	sst s2  }
0x8f: {  	_ = 	snop  }
0x90: {  	s2 =	sld [smem:$0x3FC9]  }
0x91: {  	s18 =	sld [smem:$0x3FC8]  }
0x92: {  	s4 =	sld [smem:$0x3FD0];
	(tm) =	ssettm $0x1  }
0x93: {  	s5 =	sld [smem:$0x3FFB];
	_ =	sdelay $0x3  }
0x94: {  	_ =	strace s5  }
0x95: {  	s5 =	sld [smem:$0x3FFC];
	_ =	sdelay $0x3  }
0x96: {  	_ =	strace s5  }
0x97: {  	s5 =	sld [smem:$0x3FFD];
	_ =	sdelay $0x3  }
0x98: {  	_ =	strace s5  }
0x99: {  	_ =	strace $0x8FFFFFFF  }
0x9a: {  	s19 =	sld [smem:$0x3FDB];
	_ =	sdelay $0x1  }
0x9b: {  	s6 =	simm.s32 $_scs_section_size  }
0x9c: {  	s7 =	simm.s32 $_size__tile_overlayer_lowered;
	s8 =	simm.s32 $_tile_overlayer_lowered  }
0x9d: {  	s22 =	simm.s32 $0x1BFF;
	s21 =	sshll.u32 s8, $0x1;
	s5 =	sadd.s32 s6, s19  }
0x9e: {  	s9 =	simm.s32 $0x0;
	s20 =	sshll.u32 s7, $0x1;
	s7 =	sadd.s32 s21, s5  }
0x9f: {  	[timem:s9], [sflag:s22] =	dma.local [hbm:s7], s20  }
0xa0: {  	_ =	swait.ge [sflag:s22], s20  }
0xa1: {  	s6 =	ssub.s32 $0x0, s20;
	[sflag:s22] =	ssyncset.done $0x0  }
0xa2: {  	[sflag:s22] =	ssyncadd.s32 s6;
	_ =	sdelay $0x1  }
0xa3: {  	s23 =	simm.s32 $0x1B8B  }
0xa4: {  	_ =	swait.ge [sflag:s23], $0x1  }
0xa5: {  	[sflag:s23] =	ssyncset.done $0x0  }
0xa6: {  	s25 =	simm.s32 $0x1B8E;
	s24 =	sld [smem:$0x3FFE];
	[sflag:s23] =	ssyncadd.s32 $0xFFFFFFFF  }
0xa7: {  	s26 =	simm.s32 $execute0_lowered;
	[smem:$0x3FD2] =	sst s25  }
0xa8: {  	s7 =	sshll.u32 s26, $0x1;
	_ =	strace $0x80000046;
	[dreg:$0x1] =	wrdreg $0xFFFFFFFF  }
0xa9: {  	s28 =	simm.s32 $_size_execute0_lowered;
	s5 =	sadd.s32 s5, s7;
	[dreg:$0x0] =	wrdreg $0x0  }
0xaa: {  	s7 =	sshll.u32 s28, $0x1;
	[dreg:$0x2] =	wrdreg s5  }
0xab: {  	[dreg:$0x3] =	wrdreg s7  }
0xac: {  	[dreg:$0x4] =	wrdreg $0xC0  }
0xad: {  	_ =	task [dreg:s9], $0x5FFFF  }
0xae: {  	[dreg:$0x1] =	wrdreg $0xFFFFFFFF  }
0xaf: {  	[dreg:$0x0] =	wrdreg $0x60  }
0xb0: {  	[dreg:$0x2] =	wrdreg s2  }
0xb1: {  	[dreg:$0x3] =	wrdreg s18  }
0xb2: {  	[dreg:$0x4] =	wrdreg s4  }
0xb3: {  	[dreg:$0x5] =	wrdreg s24  }
0xb4: {  	[dreg:$0x6] =	wrdreg $0x9  }
0xb5: {  	_ =	task.clear_ibuf [dreg:s9], $0x7FFFF;
	_ =	strace $0x90000046  }
0xb6: {  	s29 =	simm.s32 $0x9;
	_ =	strace $0x80000048  }
0xb7: {  	_ =	swait.ge [sflag:s29], $0x1  }
0xb8: {  	[sflag:s29] =	ssyncadd.s32 $0xFFFFFFFF  }
0xb9: {  	_ =	strace $0x90000048  }
0xba: {  	_ =	sfence  }
0xbb: {  	s30 =	sld [smem:$0x0];
	_ =	sdelay $0x2  }
0xbc: {  	s31 =	sshll.u32 s1, $0xD;
	s1 =	sshrl.u32 s1, $0x2  }
0xbd: {  	s3 =	sand.u32 $0x4000, s31;
	s1 =	sadd.s32 s1, s30  }
0xbe: {  	s0 =	sor.u32 s3, s0;
	s1 =	sshll.u32 s1, $0x11  }
0xbf: {  	s0 =	sor.u32 s1, s0  }
0xc0: {  	s0 =	sadd.s32 $0x8F2B, s0  }
0xc1: {  	[sflag:s0] =	ssyncadd.remote.s32 $0x1  }
0xc2: {  	_ =	sfence.sel $0xFFFF  }
0xc3: {  	[dreg:$0x0] =	wrdreg $0xFFFFFFFF;
	(pc) =	sbr.abs _section_cstart, $3  }
0xc4: {  	[dreg:$0x1] =	wrdreg $0xFFFFFFFF  }
0xc5: {  	_ =	task.clear_ibuf [dreg:s9], $0x2FFFF;
	_ =	strace $0x9FFFFFFF  }
0xc6: {  	(tm) =	ssettm $0x7FFFFFFF  }
0xc7: {  	_ =	shalt  }
tec
execute0_lowered:
.L_overlay_start_1:
0x0: {  	(tag) =	ssettag $0x1  }
0x1: {  	s1 =	rddreg [dreg:$0x0]  }
0x2: {  	s2 =	rddreg [dreg:$0x1]  }
0x3: {  	s4 =	rddreg [dreg:$0x2]  }
0x4: {  	s7 =	rddreg [dreg:$0x3]  }
0x5: {  	s0 =	rddreg [dreg:$0x4]  }
0x6: {  	s6 =	srdreg.scid;
	s3 =	stileid.u32;
	s5 =	simm.s32 $0x0  }
0x7: {  	s11 =	simm.s32 $0x1;
	s12 =	simm.s32 $0x4000;
	s13 =	simm.s32 $0x2000  }
0x8: {  	s14 =	simm.s32 $0x3;
	s15 =	simm.s32 $0x0;
	s8 =	sand.u32 $0x1, s6  }
.Ltmp0:
0x9: {  	s30 =	sshll.u32 s3, $0x1;
	[smem:$0x7FF] =	sst s5;
	(pc) =	sbr.rel .LBB2_1-.Ltmp0, $4  }
0xa: {  	s6 =	sor.u32 s8, s30;
	s8 =	ssub.s32 $0x2, s8;
	_ =	strace $0x80000047  }
0xb: {  	s9 =	sshll.u32 s6, $0xA;
	s10 =	sshrl.u32 s8, $0x1;
	s31 =	sshll.u32 s6, $0x6  }
0xc: {  	v1 =	vimm.f32 $0.0e+00;
	s7 =	sadd.s32 s9, s7;
	s8 =	ssub.s32 s8, s10;
	s9 =	simm.s32 $0x6000  }
0xd: {  	v2 =	vlaneseq.u32;
	v3 =	vimm.f32 $1.000000000e+00;
	v0 =	vmov s31;
	s10 =	simm.s32 $0x5;
	s7 =	sadd.s32 $0x1000, s7;
	s8 =	smax.u32 s8, $0x1  }
.LBB2_15:
0xe: {  	s15 =	sadd.s32 $0x1, s15  }
0xf: {  	p0 =	sne.s32 s15, s8  }
.Ltmp1:
0x10: {  	_ = 	snop;
	(pc) =	sbr.rel @!p0 .LBB2_16-.Ltmp1, $4  }
0x11: {  	[hbm4b:s7+s5] =	stream.linear.scatter [tilespmem:s12], [sflag:$0x5], $0x2000, $0x38;
	[tilespmem:$0x6080] =	vst v63  }
0x12: {  	_ =	swait.ge [sflag:s10], $0x2000  }
0x13: {  	[sflag:s10] =	ssyncset.done $0x0  }
0x14: {  	[sflag:s10] =	ssyncadd.s32 $0xFFFFE000  }
.LBB2_1:
0x15: {  	[tilespmem:s9], [sflag:$0x5] =	stream.linear.gather [hbm4b:s4+s5], $0x80, $0x38;
	[tilespmem:$0x6080] =	vst v63  }
0x16: {  	_ =	swait.ge [sflag:s10], $0x80  }
0x17: {  	[sflag:s10] =	ssyncset.done $0x0  }
0x18: {  	[sflag:s10] =	ssyncadd.s32 $0xFFFFFF80  }
0x19: {  	v4 =	vld [tilespmem:s6+$0x6000]  }
0x1a: {  	v5 =	vld [tilespmem:s6+$0x6001];
	_ =	sdelay $0x3  }
0x1b: {  	(v2sf) =	vpush v4, $0x0  }
0x1c: {  	(v2sf) =	vpush v5, $0x0;
	_ =	sdelay $0xd  }
0x1d: {  	s16 =	spop (v2sf)  }
0x1e: {  	s17 =	spop (v2sf);
	s18 =	sshra.s32 s16, $0x1F;
	s19 =	sand.u32 $0xFFF, s16  }
0x1f: {  	p0 =	slt.s32 s16, $0x1;
	s18 =	sshrl.u32 s18, $0x14;
	p1 =	sne.s32 s19, $0x0  }
0x20: {  	s31 =	sadd.s32 $0xFFF, s17;
	s18 =	sadd.s32 s18, s16;
	p0 =	por !p0, !p1  }
0x21: {  	s20 =	sand.u32 $0xFFF, s31;
	s21 =	sshra.s32 s31, $0x1F;
	p6 =	slt.s32 s31, $0x1  }
0x22: {  	s18 =	sshra.s32 s18, $0xC;
	p0 =	por !p0, !p0;
	p2 =	sne.s32 s20, $0x0  }
0x23: {  	s20 =	simm.s32 $0x1;
	s21 =	sshrl.u32 s21, $0x14;
	p1 =	por !p6, !p2  }
0x24: {  	s19 =	sadd.s32 s21, s31;
	s21 =	simm.s32 $0x1;
	p1 =	por !p1, !p1  }
0x25: {  	s20 =	simm.s32 @!p0 $0x0;
	s22 =	sshra.s32 s19, $0xC;
	s21 =	simm.s32 @!p1 $0x0  }
0x26: {  	s19 =	ssub.s32 s18, s20;
	s18 =	ssub.s32 s22, s21  }
0x27: {  	s22 =	ssub.s32 s18, s19  }
0x28: {  	p1 =	slt.s32 s22, $0x1  }
0x29: {  	s20 =	sshll.u32 @!p1 s19, $0xC  }
0x2a: {  	p0 =	slt.s32 @!p1 s20, $0x176A0  }
0x2b: {  	s21 =	smov.u32 s20;
	p0 =	por !p0, p1  }
0x2c: {  	s21 =	simm.s32 @p0 $0x176A0;
	p0 =	seq.s32 @!p1 s22, $0x1  }
0x2d: {  	s23 =	sshrl.u32 @!p1 s21, $0x3;
	p2 =	por p0, p1  }
0x2e: {  	s25 =	simm.s32 @!p1 $0x0;
	s24 =	sadd.s32 @!p1 s1, s23;
	s22 =	sadd.s32 @!p2 $0x1000, s20  }
0x2f: {  	[tilespmem:s25], [sflag:$0x1] =	stream.linear.gather @!p1 [hbm4b:s24+s25], $0x1000, $0x38;
	[tilespmem:$0x6080] =	vst v63  }
0x30: {  	p3 =	slt.s32 @!p2 s22, $0x176A0  }
0x31: {  	s23 =	sadd.s32 @!p1 s2, s23;
	s24 =	simm.s32 @!p1 $0x2000;
	p3 =	por @!p1 !p3, p0  }
0x32: {  	[tilespmem:s24], [sflag:$0x3] =	stream.linear.gather @!p1 [hbm4b:s23+s25], $0x1000, $0x38;
	[tilespmem:$0x6080] =	vst v63  }
0x33: {  	p3 =	por !p3, p1  }
0x34: {  	s22 =	simm.s32 @!p3 $0x176A0  }
0x35: {  	s22 =	sshrl.u32 @!p2 s22, $0x3  }
0x36: {  	s24 =	simm.s32 @!p2 $0x0;
	s25 =	simm.s32 @!p2 $0x1000;
	s23 =	sadd.s32 @!p2 s1, s22  }
0x37: {  	[tilespmem:s25], [sflag:$0x2] =	stream.linear.gather @!p2 [hbm4b:s23+s24], $0x1000, $0x38;
	[tilespmem:$0x6080] =	vst v63  }
0x38: {  	s22 =	sadd.s32 @!p2 s2, s22;
	s23 =	simm.s32 @!p2 $0x3000  }
0x39: {  	[tilespmem:s23], [sflag:$0x4] =	stream.linear.gather @!p2 [hbm4b:s22+s24], $0x1000, $0x38;
	[tilespmem:$0x6080] =	vst v63  }
0x3a: {  	s22 =	simm.s32 $0x4080  }
0x3b: {  	[tilespmem:s22+$0xFFFFFF80] =	vst v1  }
0x3c: {  	[tilespmem:s22+$0x70] =	vst v1  }
0x3d: {  	[tilespmem:s22+$0x60] =	vst v1  }
0x3e: {  	[tilespmem:s22+$0x50] =	vst v1  }
0x3f: {  	[tilespmem:s22+$0x40] =	vst v1  }
0x40: {  	[tilespmem:s22+$0x30] =	vst v1  }
0x41: {  	[tilespmem:s22+$0x20] =	vst v1  }
0x42: {  	[tilespmem:s22+$0x10] =	vst v1  }
0x43: {  	[tilespmem:s22+$0x0] =	vst v1  }
0x44: {  	[tilespmem:s22+$0xFFFFFFF0] =	vst v1  }
0x45: {  	[tilespmem:s22+$0xFFFFFFE0] =	vst v1  }
0x46: {  	[tilespmem:s22+$0xFFFFFFD0] =	vst v1  }
0x47: {  	p0 =	por !p0, p1;
	p3 =	por @!p1 $0x0, $0x0;
	p2 =	por @!p2 $0x1, $0x1;
	[tilespmem:s22+$0xFFFFFFC0] =	vst v1  }
0x48: {  	p2 =	por @!p0 p3, p3;
	p0 =	por $0x0, $0x0;
	[tilespmem:s22+$0xFFFFFFB0] =	vst v1  }
0x49: {  	s23 =	simm.s32 $0x0;
	[tilespmem:s22+$0xFFFFFFA0] =	vst v1;
	p0 =	por @!p1 p2, p2  }
.LBB2_2:
0x4a: {  	s23 =	sadd.s32 $0x2, s23;
	[tilespmem:s22+$0xFFFFFF90] =	vst v1;
	s22 =	sadd.s32 $0x100, s22  }
0x4b: {  	[tilespmem:s22+$0xFFFFFF80] =	vst v1;
	p2 =	slt.u32 s23, $0x3E  }
0x4c: {  	[tilespmem:s22+$0x70] =	vst v1  }
0x4d: {  	[tilespmem:s22+$0x60] =	vst v1  }
0x4e: {  	[tilespmem:s22+$0x50] =	vst v1  }
0x4f: {  	[tilespmem:s22+$0x40] =	vst v1  }
0x50: {  	[tilespmem:s22+$0x30] =	vst v1  }
0x51: {  	[tilespmem:s22+$0x20] =	vst v1  }
0x52: {  	[tilespmem:s22+$0x10] =	vst v1  }
0x53: {  	[tilespmem:s22+$0x0] =	vst v1  }
0x54: {  	[tilespmem:s22+$0xFFFFFFF0] =	vst v1  }
.Ltmp2:
0x55: {  	[tilespmem:s22+$0xFFFFFFE0] =	vst v1;
	(pc) =	sbr.rel @p2 .LBB2_2-.Ltmp2, $4  }
0x56: {  	[tilespmem:s22+$0xFFFFFFD0] =	vst v1  }
0x57: {  	[tilespmem:s22+$0xFFFFFFC0] =	vst v1  }
0x58: {  	[tilespmem:s22+$0xFFFFFFB0] =	vst v1  }
0x59: {  	[tilespmem:s22+$0xFFFFFFA0] =	vst v1  }
0x5a: {  	p2 =	sgt.s32 @!p1 s16, s20;
	[tilespmem:s22+$0xFFFFFF90] =	vst v1;
	s23 =	simm.s32 @!p1 $0x1;
	s22 =	smov.u32 s16  }
0x5b: {  	s24 =	sadd.s32 @!p1 $0x1000, s21;
	s26 =	smov.u32 s17;
	p2 =	por !p2, p1  }
0x5c: {  	_ =	swait.ge @!p1 [sflag:s23], $0x1000;
	p3 =	slt.s32 @!p1 s17, s24;
	s22 =	smov.u32 @p2 s20  }
0x5d: {  	p3 =	por !p3, p1;
	[sflag:s23] =	ssyncset.done @!p1 $0x0;
	p2 =	sne.s32 @!p1 s22, s21  }
0x5e: {  	s25 =	ssub.s32 @!p1 s22, s21;
	s22 =	simm.s32 @!p1 $0x1;
	p2 =	por !p2, p1  }
0x5f: {  	s26 =	smov.u32 @p3 s24;
	s24 =	sshra.s32 @!p1 s25, $0x1F;
	s22 =	simm.s32 @p2 $0x0  }
0x60: {  	[sflag:s23] =	ssyncadd.s32 @!p1 $0xFFFFF000;
	s22 =	sor.u32 @!p1 s22, s24  }
0x61: {  	s26 =	ssub.s32 @!p1 s26, s21;
	p2 =	sne.s32 @!p1 s22, $0x1;
	s22 =	sand.u32 @!p1 $0x3F, s25  }
0x62: {  	s26 =	sadd.s32 @!p1 $0x3F, s26;
	s24 =	sshrl.u32 @!p1 s24, $0x1A;
	p3 =	sne.s32 @!p1 s22, $0x0  }
0x63: {  	s22 =	sand.u32 @!p1 $0x3F, s26;
	p2 =	por @!p1 !p3, !p2;
	p3 =	slt.s32 @!p1 s26, $0x1  }
0x64: {  	p4 =	sne.s32 @!p1 s22, $0x0;
	s22 =	sadd.s32 @!p1 s24, s25;
	s24 =	sshra.s32 @!p1 s26, $0x1F  }
0x65: {  	s25 =	simm.s32 @!p1 $0x1;
	p3 =	por @!p1 !p3, !p4;
	s22 =	sshra.s32 @!p1 s22, $0x6  }
0x66: {  	p2 =	por @!p1 !p2, !p2;
	s24 =	sshrl.u32 @!p1 s24, $0x1A;
	p3 =	por @!p1 !p3, !p3  }
0x67: {  	p2 =	por !p2, p1;
	s24 =	sadd.s32 @!p1 s24, s26;
	p3 =	por !p3, p1  }
0x68: {  	s25 =	simm.s32 @p2 $0x0;
	s24 =	sshra.s32 @!p1 s24, $0x6;
	s23 =	simm.s32 @p3 $0x0  }
0x69: {  	s22 =	ssub.s32 @!p1 s22, s25;
	s23 =	ssub.s32 @!p1 s24, s23  }
0x6a: {  	p2 =	sge.s32 @!p1 s22, s23  }
0x6b: {  	p2 =	por p1, p2  }
.Ltmp3:
0x6c: {  	_ = 	snop;
	(pc) =	sbr.rel @p2 .LBB2_6-.Ltmp3, $4  }
0x6d: {  	s26 =	simm.s32 @!p1 $0x3  }
0x6e: {  	_ =	swait.ge @!p1 [sflag:s26], $0x1000  }
0x6f: {  	[sflag:s26] =	ssyncset.done @!p1 $0x0  }
0x70: {  	[sflag:s26] =	ssyncadd.s32 @!p1 $0xFFFFF000  }
0x71: {  	s24 =	sshll.u32 s22, $0x6;
	s25 =	sshll.u32 s22, $0x8  }
0x72: {  	s21 =	sadd.s32 s24, s21;
	s31 =	sshra.s32 s25, $0x2  }
0x73: {  	v4 =	vmov s20;
	s20 =	sadd.s32 $0x20, s21;
	s21 =	sadd.s32 $0x2020, s31;
	s24 =	sor.u32 $0x20, s31  }
.LBB2_5:
0x74: {  	v5 =	vld [tilespmem:s21+$0xFFFFFFE0];
	_ =	sdelay $0x2  }
0x75: {  	v6 =	vld [tilespmem:s24+$0xFFFFFFE0]  }
0x76: {  	s25 =	sadd.s32 $0xFFFFFFE0, s20  }
0x77: {  	v7 =	vor.u32 s25, v2;
	v5 =	vsub.s32 v5, v0  }
0x78: {  	vm1 =	vge.s32 v7, v4;
	vm0 =	vlt.u32 v5, $0x40  }
0x79: {  	v5 =	vshll.u32 v5, $0x7;
	vm0 =	vmand vm1, vm0  }
0x7a: {  	v7 =	vand.u32 $0xFFFFFF80, v6;
	v5 =	vnsel vm0, $0x0, v5  }
0x7b: {  	v6 =	vand.u32 $0x7F, v6;
	v5 =	vadd.s32 v7, v5  }
0x7c: {  	v5 =	vor.u32 v6, v5;
	_ =	sdelay $0x4  }
0x7d: {  	[tilespmem:v5+s12+$0x0] =	vst.idx.add.f32.msk vm0, v3  }
0x7e: {  	v5 =	vld [tilespmem:s21+$0xFFFFFFF0];
	_ =	sdelay $0x2  }
0x7f: {  	v6 =	vld [tilespmem:s24+$0xFFFFFFF0]  }
0x80: {  	s30 =	sadd.s32 $0xFFFFFFF0, s20  }
0x81: {  	v7 =	vor.u32 s30, v2;
	v5 =	vsub.s32 v5, v0  }
0x82: {  	vm11 =	vge.s32 v7, v4;
	vm10 =	vlt.u32 v5, $0x40  }
0x83: {  	v5 =	vshll.u32 v5, $0x7;
	vm0 =	vmand vm11, vm10  }
0x84: {  	v7 =	vand.u32 $0xFFFFFF80, v6;
	v5 =	vnsel vm0, $0x0, v5  }
0x85: {  	v6 =	vand.u32 $0x7F, v6;
	v5 =	vadd.s32 v7, v5  }
0x86: {  	v5 =	vor.u32 v6, v5;
	_ =	sdelay $0x4  }
0x87: {  	[tilespmem:v5+s12+$0x0] =	vst.idx.add.f32.msk vm0, v3  }
0x88: {  	v5 =	vld [tilespmem:s21+$0x0];
	_ =	sdelay $0x2  }
0x89: {  	v6 =	vld [tilespmem:s24+$0x0];
	_ =	sdelay $0x1  }
0x8a: {  	v7 =	vor.u32 s20, v2;
	v5 =	vsub.s32 v5, v0  }
0x8b: {  	vm13 =	vge.s32 v7, v4;
	vm12 =	vlt.u32 v5, $0x40  }
0x8c: {  	v5 =	vshll.u32 v5, $0x7;
	vm0 =	vmand vm13, vm12  }
0x8d: {  	v7 =	vand.u32 $0xFFFFFF80, v6;
	v5 =	vnsel vm0, $0x0, v5  }
0x8e: {  	v6 =	vand.u32 $0x7F, v6;
	v5 =	vadd.s32 v7, v5  }
0x8f: {  	v5 =	vor.u32 v6, v5;
	_ =	sdelay $0x4  }
0x90: {  	[tilespmem:v5+s12+$0x0] =	vst.idx.add.f32.msk vm0, v3  }
0x91: {  	v5 =	vld [tilespmem:s21+$0x10];
	_ =	sdelay $0x2  }
0x92: {  	v6 =	vld [tilespmem:s24+$0x10]  }
0x93: {  	s31 =	sadd.s32 $0x10, s20  }
0x94: {  	v7 =	vor.u32 s31, v2;
	v5 =	vsub.s32 v5, v0  }
0x95: {  	vm15 =	vge.s32 v7, v4;
	vm14 =	vlt.u32 v5, $0x40  }
0x96: {  	v5 =	vshll.u32 v5, $0x7;
	vm0 =	vmand vm15, vm14  }
0x97: {  	v7 =	vand.u32 $0xFFFFFF80, v6;
	v5 =	vnsel vm0, $0x0, v5  }
0x98: {  	s22 =	sadd.s32 $0x1, s22;
	v6 =	vand.u32 $0x7F, v6;
	v5 =	vadd.s32 v7, v5  }
0x99: {  	p1 =	slt.s32 s22, s23;
	v5 =	vor.u32 v6, v5  }
.Ltmp4:
0x9a: {  	_ = 	snop;
	(pc) =	sbr.rel @p1 .LBB2_5-.Ltmp4, $2  }
0x9b: {  	_ =	sdelay $0x2  }
0x9c: {  	s20 =	sadd.s32 $0x40, s20;
	s21 =	sadd.s32 $0x40, s21;
	s24 =	sadd.s32 $0x40, s24;
	[tilespmem:v5+s12+$0x0] =	vst.idx.add.f32.msk vm0, v3  }
.LBB2_6:
0x9d: {  	s20 =	sshll.u32 @p0 s19, $0xC  }
0x9e: {  	s21 =	smov.u32 s16;
	s22 =	sadd.s32 @p0 $0x1000, s20  }
0x9f: {  	s26 =	smov.u32 s17;
	s20 =	simm.s32 @p0 $0x2;
	p1 =	slt.s32 @p0 s22, $0x176A0  }
0xa0: {  	s23 =	smov.u32 s22;
	p2 =	sgt.s32 @p0 s16, s22;
	p1 =	por !p1, !p0  }
0xa1: {  	_ =	swait.ge @p0 [sflag:s20], $0x1000;
	s23 =	simm.s32 @p1 $0x176A0;
	p1 =	por !p2, !p0  }
0xa2: {  	[sflag:s20] =	ssyncset.done @p0 $0x0;
	s21 =	smov.u32 @p1 s22;
	s24 =	sadd.s32 @p0 $0x1000, s23  }
0xa3: {  	s25 =	ssub.s32 @p0 s21, s23;
	p1 =	sne.s32 @p0 s21, s23;
	p2 =	slt.s32 @p0 s17, s24  }
0xa4: {  	s21 =	simm.s32 @p0 $0x1;
	p1 =	por !p1, !p0;
	p2 =	por !p2, !p0  }
0xa5: {  	s26 =	smov.u32 @p2 s24;
	s24 =	sshra.s32 @p0 s25, $0x1F;
	s21 =	simm.s32 @p1 $0x0  }
0xa6: {  	[sflag:s20] =	ssyncadd.s32 @p0 $0xFFFFF000;
	s21 =	sor.u32 @p0 s21, s24;
	s24 =	sshrl.u32 @p0 s24, $0x1A  }
0xa7: {  	s26 =	ssub.s32 @p0 s26, s23;
	s24 =	sadd.s32 @p0 s24, s25;
	s25 =	sand.u32 @p0 $0x3F, s25  }
0xa8: {  	s26 =	sadd.s32 @p0 $0x3F, s26;
	p1 =	sne.s32 @p0 s21, $0x1;
	p2 =	sne.s32 @p0 s25, $0x0  }
0xa9: {  	s21 =	sand.u32 @p0 $0x3F, s26;
	s20 =	sshra.s32 @p0 s24, $0x6;
	s24 =	sshra.s32 @p0 s26, $0x1F  }
0xaa: {  	p1 =	por @p0 !p2, !p1;
	p2 =	slt.s32 @p0 s26, $0x1;
	p3 =	sne.s32 @p0 s21, $0x0  }
0xab: {  	s25 =	simm.s32 @p0 $0x1;
	s21 =	simm.s32 @p0 $0x1;
	p2 =	por @p0 !p2, !p3  }
0xac: {  	s24 =	sshrl.u32 @p0 s24, $0x1A;
	p1 =	por @p0 !p1, !p1;
	p2 =	por @p0 !p2, !p2  }
0xad: {  	s24 =	sadd.s32 @p0 s24, s26;
	p1 =	por !p1, !p0;
	p2 =	por !p2, !p0  }
0xae: {  	s24 =	sshra.s32 @p0 s24, $0x6;
	s25 =	simm.s32 @p1 $0x0;
	s21 =	simm.s32 @p2 $0x0  }
0xaf: {  	s20 =	ssub.s32 @p0 s20, s25;
	s21 =	ssub.s32 @p0 s24, s21  }
0xb0: {  	p1 =	sge.s32 @p0 s20, s21  }
0xb1: {  	p1 =	por !p0, p1  }
.Ltmp5:
0xb2: {  	_ = 	snop;
	(pc) =	sbr.rel @p1 .LBB2_9-.Ltmp5, $4  }
0xb3: {  	s26 =	simm.s32 @p0 $0x4  }
0xb4: {  	_ =	swait.ge @p0 [sflag:s26], $0x1000  }
0xb5: {  	[sflag:s26] =	ssyncset.done @p0 $0x0  }
0xb6: {  	[sflag:s26] =	ssyncadd.s32 @p0 $0xFFFFF000  }
0xb7: {  	s24 =	sshll.u32 s20, $0x6;
	s25 =	sshll.u32 s20, $0x8  }
0xb8: {  	s23 =	sadd.s32 s24, s23;
	s31 =	sshra.s32 s25, $0x2  }
0xb9: {  	v4 =	vmov s22;
	s22 =	sadd.s32 $0x20, s23;
	s23 =	sadd.s32 $0x3020, s31;
	s24 =	sadd.s32 $0x1020, s31  }
.LBB2_8:
0xba: {  	v5 =	vld [tilespmem:s23+$0xFFFFFFE0];
	_ =	sdelay $0x2  }
0xbb: {  	v6 =	vld [tilespmem:s24+$0xFFFFFFE0]  }
0xbc: {  	s25 =	sadd.s32 $0xFFFFFFE0, s22  }
0xbd: {  	v7 =	vor.u32 s25, v2;
	v5 =	vsub.s32 v5, v0  }
0xbe: {  	vm1 =	vge.s32 v7, v4;
	vm0 =	vlt.u32 v5, $0x40  }
0xbf: {  	v5 =	vshll.u32 v5, $0x7;
	vm0 =	vmand vm1, vm0  }
0xc0: {  	v7 =	vand.u32 $0xFFFFFF80, v6;
	v5 =	vnsel vm0, $0x0, v5  }
0xc1: {  	v6 =	vand.u32 $0x7F, v6;
	v5 =	vadd.s32 v7, v5  }
0xc2: {  	v5 =	vor.u32 v6, v5;
	_ =	sdelay $0x4  }
0xc3: {  	[tilespmem:v5+s12+$0x0] =	vst.idx.add.f32.msk vm0, v3  }
0xc4: {  	v5 =	vld [tilespmem:s23+$0xFFFFFFF0];
	_ =	sdelay $0x2  }
0xc5: {  	v6 =	vld [tilespmem:s24+$0xFFFFFFF0]  }
0xc6: {  	s30 =	sadd.s32 $0xFFFFFFF0, s22  }
0xc7: {  	v7 =	vor.u32 s30, v2;
	v5 =	vsub.s32 v5, v0  }
0xc8: {  	vm11 =	vge.s32 v7, v4;
	vm10 =	vlt.u32 v5, $0x40  }
0xc9: {  	v5 =	vshll.u32 v5, $0x7;
	vm0 =	vmand vm11, vm10  }
0xca: {  	v7 =	vand.u32 $0xFFFFFF80, v6;
	v5 =	vnsel vm0, $0x0, v5  }
0xcb: {  	v6 =	vand.u32 $0x7F, v6;
	v5 =	vadd.s32 v7, v5  }
0xcc: {  	v5 =	vor.u32 v6, v5;
	_ =	sdelay $0x4  }
0xcd: {  	[tilespmem:v5+s12+$0x0] =	vst.idx.add.f32.msk vm0, v3  }
0xce: {  	v5 =	vld [tilespmem:s23+$0x0];
	_ =	sdelay $0x2  }
0xcf: {  	v6 =	vld [tilespmem:s24+$0x0];
	_ =	sdelay $0x1  }
0xd0: {  	v7 =	vor.u32 s22, v2;
	v5 =	vsub.s32 v5, v0  }
0xd1: {  	vm13 =	vge.s32 v7, v4;
	vm12 =	vlt.u32 v5, $0x40  }
0xd2: {  	v5 =	vshll.u32 v5, $0x7;
	vm0 =	vmand vm13, vm12  }
0xd3: {  	v7 =	vand.u32 $0xFFFFFF80, v6;
	v5 =	vnsel vm0, $0x0, v5  }
0xd4: {  	v6 =	vand.u32 $0x7F, v6;
	v5 =	vadd.s32 v7, v5  }
0xd5: {  	v5 =	vor.u32 v6, v5;
	_ =	sdelay $0x4  }
0xd6: {  	[tilespmem:v5+s12+$0x0] =	vst.idx.add.f32.msk vm0, v3  }
0xd7: {  	v5 =	vld [tilespmem:s23+$0x10];
	_ =	sdelay $0x2  }
0xd8: {  	v6 =	vld [tilespmem:s24+$0x10]  }
0xd9: {  	s31 =	sadd.s32 $0x10, s22  }
0xda: {  	v7 =	vor.u32 s31, v2;
	v5 =	vsub.s32 v5, v0  }
0xdb: {  	vm15 =	vge.s32 v7, v4;
	vm14 =	vlt.u32 v5, $0x40  }
0xdc: {  	v5 =	vshll.u32 v5, $0x7;
	vm0 =	vmand vm15, vm14  }
0xdd: {  	v7 =	vand.u32 $0xFFFFFF80, v6;
	v5 =	vnsel vm0, $0x0, v5  }
0xde: {  	s20 =	sadd.s32 $0x1, s20;
	v6 =	vand.u32 $0x7F, v6;
	v5 =	vadd.s32 v7, v5  }
0xdf: {  	p0 =	slt.s32 s20, s21;
	v5 =	vor.u32 v6, v5  }
.Ltmp6:
0xe0: {  	_ = 	snop;
	(pc) =	sbr.rel @p0 .LBB2_8-.Ltmp6, $2  }
0xe1: {  	_ =	sdelay $0x2  }
0xe2: {  	s22 =	sadd.s32 $0x40, s22;
	s23 =	sadd.s32 $0x40, s23;
	s24 =	sadd.s32 $0x40, s24;
	[tilespmem:v5+s12+$0x0] =	vst.idx.add.f32.msk vm0, v3  }
.LBB2_9:
0xe3: {  	s19 =	sadd.s32 $0x2, s19  }
0xe4: {  	p0 =	sge.s32 s19, s18  }
.Ltmp7:
0xe5: {  	_ = 	snop;
	(pc) =	sbr.rel @p0 .LBB2_15-.Ltmp7, $1  }
0xe6: {  	_ =	sdelay $0x3  }
.Ltmp8:
0xe7: {  	(pc) =	sbr.rel .LBB2_11-.Ltmp8, $2  }
0xe8: {  	_ =	sdelay $0x2  }
0xe9: {  	s20 =	sshll.u32 s19, $0xC  }
.LBB2_14:
0xea: {  	s19 =	sadd.s32 $0x1, s19  }
0xeb: {  	p0 =	slt.s32 s19, s18  }
.Ltmp9:
0xec: {  	_ = 	snop;
	(pc) =	sbr.rel @!p0 .LBB2_15-.Ltmp9, $2  }
0xed: {  	_ =	sdelay $0x2  }
0xee: {  	s20 =	sadd.s32 $0x1000, s20  }
.LBB2_11:
0xef: {  	s23 =	sshll.u32 s19, $0xC  }
0xf0: {  	p0 =	slt.s32 s23, $0x176A0;
	s21 =	smov.u32 s23  }
0xf1: {  	s21 =	simm.s32 @!p0 $0x176A0  }
0xf2: {  	s22 =	sshrl.u32 s21, $0x3  }
0xf3: {  	s24 =	sadd.s32 s1, s22  }
0xf4: {  	[tilespmem:s5], [sflag:$0x1] =	stream.linear.gather [hbm4b:s24+s5], $0x1000, $0x38;
	[tilespmem:$0x6080] =	vst v63  }
0xf5: {  	s22 =	sadd.s32 s2, s22  }
0xf6: {  	[tilespmem:s13], [sflag:$0x3] =	stream.linear.gather [hbm4b:s22+s5], $0x1000, $0x38;
	[tilespmem:$0x6080] =	vst v63  }
0xf7: {  	p0 =	sgt.s32 s16, s23;
	s25 =	sadd.s32 $0x1000, s21;
	s22 =	smov.u32 s23  }
0xf8: {  	s22 =	smov.u32 @p0 s16;
	p0 =	slt.s32 s17, s25  }
0xf9: {  	s29 =	ssub.s32 s22, s21;
	p1 =	sne.s32 s22, s21;
	s25 =	smov.u32 @p0 s17  }
0xfa: {  	s22 =	simm.s32 $0x1;
	s26 =	sshra.s32 s29, $0x1F;
	s21 =	ssub.s32 s25, s21  }
0xfb: {  	s22 =	simm.s32 @!p1 $0x0;
	s31 =	sand.u32 $0x3F, s29;
	s25 =	simm.s32 $0x1  }
0xfc: {  	s30 =	sshrl.u32 s26, $0x1A;
	s22 =	sor.u32 s22, s26;
	s21 =	sadd.s32 $0x3F, s21  }
0xfd: {  	p5 =	sne.s32 s31, $0x0;
	p4 =	sne.s32 s22, $0x1;
	s28 =	sand.u32 $0x3F, s21  }
0xfe: {  	p6 =	slt.s32 s21, $0x1;
	s29 =	sadd.s32 s30, s29;
	s30 =	sshra.s32 s21, $0x1F  }
0xff: {  	p0 =	por !p5, !p4;
	p2 =	sne.s32 s28, $0x0;
	s22 =	sshra.s32 s29, $0x6  }
0x100: {  	s24 =	sshrl.u32 s30, $0x1A;
	p1 =	por !p6, !p2;
	p0 =	por !p0, !p0  }
0x101: {  	s21 =	sadd.s32 s24, s21;
	s24 =	simm.s32 $0x1;
	p1 =	por !p1, !p1  }
0x102: {  	s25 =	simm.s32 @!p0 $0x0;
	s31 =	sshra.s32 s21, $0x6;
	s24 =	simm.s32 @!p1 $0x0  }
0x103: {  	s21 =	ssub.s32 s22, s25;
	s22 =	ssub.s32 s31, s24  }
0x104: {  	_ =	swait.ge [sflag:s11], $0x1000;
	p0 =	sge.s32 s21, s22  }
.Ltmp10:
0x105: {  	[sflag:s11] =	ssyncset.done $0x0;
	(pc) =	sbr.rel @p0 .LBB2_14-.Ltmp10, $4  }
0x106: {  	[sflag:s11] =	ssyncadd.s32 $0xFFFFF000  }
0x107: {  	_ =	swait.ge [sflag:s14], $0x1000  }
0x108: {  	[sflag:s14] =	ssyncset.done $0x0  }
0x109: {  	[sflag:s14] =	ssyncadd.s32 $0xFFFFF000  }
0x10a: {  	p0 =	slt.s32 s20, $0x176A0;
	s24 =	smov.u32 s20  }
0x10b: {  	s25 =	sshll.u32 s21, $0x6;
	s26 =	sshll.u32 s21, $0x8;
	s24 =	simm.s32 @!p0 $0x176A0  }
0x10c: {  	s31 =	sshra.s32 s26, $0x2;
	s24 =	sadd.s32 s25, s24  }
0x10d: {  	v4 =	vmov s23;
	s25 =	sor.u32 $0x20, s31;
	s23 =	sadd.s32 $0x20, s24;
	s24 =	sadd.s32 $0x2020, s31  }
.LBB2_13:
0x10e: {  	v5 =	vld [tilespmem:s24+$0xFFFFFFE0];
	_ =	sdelay $0x2  }
0x10f: {  	v6 =	vld [tilespmem:s25+$0xFFFFFFE0]  }
0x110: {  	s26 =	sadd.s32 $0xFFFFFFE0, s23  }
0x111: {  	v7 =	vor.u32 s26, v2;
	v5 =	vsub.s32 v5, v0  }
0x112: {  	vm1 =	vge.s32 v7, v4;
	vm0 =	vlt.u32 v5, $0x40  }
0x113: {  	v5 =	vshll.u32 v5, $0x7;
	vm0 =	vmand vm1, vm0  }
0x114: {  	v7 =	vand.u32 $0xFFFFFF80, v6;
	v5 =	vnsel vm0, $0x0, v5  }
0x115: {  	v6 =	vand.u32 $0x7F, v6;
	v5 =	vadd.s32 v7, v5  }
0x116: {  	v5 =	vor.u32 v6, v5;
	_ =	sdelay $0x4  }
0x117: {  	[tilespmem:v5+s12+$0x0] =	vst.idx.add.f32.msk vm0, v3  }
0x118: {  	v5 =	vld [tilespmem:s24+$0xFFFFFFF0];
	_ =	sdelay $0x2  }
0x119: {  	v6 =	vld [tilespmem:s25+$0xFFFFFFF0]  }
0x11a: {  	s30 =	sadd.s32 $0xFFFFFFF0, s23  }
0x11b: {  	v7 =	vor.u32 s30, v2;
	v5 =	vsub.s32 v5, v0  }
0x11c: {  	vm11 =	vge.s32 v7, v4;
	vm10 =	vlt.u32 v5, $0x40  }
0x11d: {  	v5 =	vshll.u32 v5, $0x7;
	vm0 =	vmand vm11, vm10  }
0x11e: {  	v7 =	vand.u32 $0xFFFFFF80, v6;
	v5 =	vnsel vm0, $0x0, v5  }
0x11f: {  	v6 =	vand.u32 $0x7F, v6;
	v5 =	vadd.s32 v7, v5  }
0x120: {  	v5 =	vor.u32 v6, v5;
	_ =	sdelay $0x4  }
0x121: {  	[tilespmem:v5+s12+$0x0] =	vst.idx.add.f32.msk vm0, v3  }
0x122: {  	v5 =	vld [tilespmem:s24+$0x0];
	_ =	sdelay $0x2  }
0x123: {  	v6 =	vld [tilespmem:s25+$0x0];
	_ =	sdelay $0x1  }
0x124: {  	v7 =	vor.u32 s23, v2;
	v5 =	vsub.s32 v5, v0  }
0x125: {  	vm13 =	vge.s32 v7, v4;
	vm12 =	vlt.u32 v5, $0x40  }
0x126: {  	v5 =	vshll.u32 v5, $0x7;
	vm0 =	vmand vm13, vm12  }
0x127: {  	v7 =	vand.u32 $0xFFFFFF80, v6;
	v5 =	vnsel vm0, $0x0, v5  }
0x128: {  	v6 =	vand.u32 $0x7F, v6;
	v5 =	vadd.s32 v7, v5  }
0x129: {  	v5 =	vor.u32 v6, v5;
	_ =	sdelay $0x4  }
0x12a: {  	[tilespmem:v5+s12+$0x0] =	vst.idx.add.f32.msk vm0, v3  }
0x12b: {  	v5 =	vld [tilespmem:s24+$0x10];
	_ =	sdelay $0x2  }
0x12c: {  	v6 =	vld [tilespmem:s25+$0x10]  }
0x12d: {  	s31 =	sadd.s32 $0x10, s23  }
0x12e: {  	v7 =	vor.u32 s31, v2;
	v5 =	vsub.s32 v5, v0  }
0x12f: {  	vm15 =	vge.s32 v7, v4;
	vm14 =	vlt.u32 v5, $0x40  }
0x130: {  	v5 =	vshll.u32 v5, $0x7;
	vm0 =	vmand vm15, vm14  }
0x131: {  	v7 =	vand.u32 $0xFFFFFF80, v6;
	v5 =	vnsel vm0, $0x0, v5  }
0x132: {  	s21 =	sadd.s32 $0x1, s21;
	v6 =	vand.u32 $0x7F, v6;
	v5 =	vadd.s32 v7, v5  }
0x133: {  	p0 =	slt.s32 s21, s22;
	v5 =	vor.u32 v6, v5  }
.Ltmp11:
0x134: {  	_ = 	snop;
	(pc) =	sbr.rel @p0 .LBB2_13-.Ltmp11, $2  }
0x135: {  	_ =	sdelay $0x2  }
0x136: {  	s23 =	sadd.s32 $0x40, s23;
	s24 =	sadd.s32 $0x40, s24;
	s25 =	sadd.s32 $0x40, s25;
	[tilespmem:v5+s12+$0x0] =	vst.idx.add.f32.msk vm0, v3  }
.Ltmp12:
0x137: {  	_ = 	snop;
	(pc) =	sbr.rel .LBB2_14-.Ltmp12, $1  }
0x138: {  	_ =	sdelay $0x3  }
.LBB2_16:
0x139: {  	_ =	sfence.sel $0x180000  }
0x13a: {  	[bflag:$0x0] =	sbarrier.arrive $0xFFFF  }
0x13b: {  	p0 =	sne.s32 s3, $0x0;
	_ =	strace $0x90000047  }
0x13c: {  	s0 =	sadd.s32 @!p0 $0x100000, s0;
	[bflag:$0x2] =	sbarrier.arrive $0xFFFF  }
0x13d: {  	[sflag:s0] =	ssyncadd.tile.s32 @!p0 $0x1;
	_ =	shalt  }
.Lfunc_end2:
_tile_overlayer_lowered:
.L_overlay_start_2:
0x13e: {  	(tag) =	ssettag $0x2  }
0x13f: {  	s0 =	rddreg [dreg:$0x0];
	s2 =	stileid.u32  }
0x140: {  	s1 =	rddreg [dreg:$0x1];
	p0 =	sne.s32 s2, $0x0  }
0x141: {  	s3 =	rddreg [dreg:$0x2];
	[bflag:$0x3] =	sbarrier.arrive $0xFFFF;
	s2 =	simm.s32 @!p0 $0x1C05  }
0x142: {  	[timem:s3], [sflag:s2] =	dma.local @!p0 [hbm:s0], s1  }
0x143: {  	s0 =	simm.s32 @!p0 $0x5  }
0x144: {  	_ =	swait.ge @!p0 [sflag:s0], s1  }
0x145: {  	s1 =	ssub.s32 @!p0 $0x0, s1;
	[sflag:s0] =	ssyncset.done @!p0 $0x0  }
0x146: {  	[sflag:s0] =	ssyncadd.s32 @!p0 s1  }
0x147: {  	[bflag:$0x3] =	sbarrier.arrive $0xFFFF  }
0x148: {  	_ =	shalt  }

</sc_bundles>
